<compile_context>
chip_gen: v7x
topology: tpu7x:2x2x1
jax: 0.10.2.dev20260603
libtpu: 0.0.44.dev20260713+nightly
codegen_flags: <defaults>
</compile_context>

<pallas_src>
import functools

import jax
import jax.numpy as jnp
from jax import lax
from jax.experimental import pallas as pl
from jax.experimental.pallas import tpu as pltpu
from jax.experimental.pallas import tpu_sc as plsc

NC = 2
NS = 16
LANES = 16
NW = NC * NS
D = 128
CHUNK = 128


def _sc_body(sid_hbm, eid_hbm, stab_hbm, etab_hbm, w_hbm, b_hbm, out_hbm,
             sid_v, eid_v, srows, erows, w_v, b_v, out_v, sem_s, sem_e,
             sem_a, sem_o, *, b_per_w):
    wid = lax.axis_index("s") * NC + lax.axis_index("c")
    base = wid * b_per_w
    nchunk = b_per_w // CHUNK

    head = 2 * CHUNK
    rest = b_per_w - head
    cp_sid0 = pltpu.async_copy(
        sid_hbm.at[pl.ds(base, head)], sid_v.at[pl.ds(0, head)], sem_s)
    cp_eid0 = pltpu.async_copy(
        eid_hbm.at[pl.ds(base, head)], eid_v.at[pl.ds(0, head)], sem_e)
    cp_sid1 = pltpu.async_copy(
        sid_hbm.at[pl.ds(base + head, rest)],
        sid_v.at[pl.ds(head, rest)], sem_a)
    cp_eid1 = pltpu.async_copy(
        eid_hbm.at[pl.ds(base + head, rest)],
        eid_v.at[pl.ds(head, rest)], sem_a)
    cp_w = pltpu.async_copy(w_hbm, w_v, sem_a)
    cp_b = pltpu.async_copy(b_hbm, b_v.at[pl.ds(0, 1)], sem_a)

    def start(c, buf):
        pltpu.async_copy(
            stab_hbm.at[sid_v.at[pl.ds(c * CHUNK, CHUNK)]],
            srows.at[buf], sem_s)
        pltpu.async_copy(
            etab_hbm.at[eid_v.at[pl.ds(c * CHUNK, CHUNK)]],
            erows.at[buf], sem_e)

    def wait(c, buf):
        pltpu.make_async_copy(
            stab_hbm.at[sid_v.at[pl.ds(c * CHUNK, CHUNK)]],
            srows.at[buf], sem_s).wait()
        pltpu.make_async_copy(
            etab_hbm.at[eid_v.at[pl.ds(c * CHUNK, CHUNK)]],
            erows.at[buf], sem_e).wait()

    cp_sid0.wait()
    cp_eid0.wait()
    start(0, 0)
    cp_sid1.wait()
    cp_eid1.wait()
    cp_w.wait()
    cp_b.wait()

    ws = [w_v[pl.ds(16 * j, 16)] for j in range(8)]
    we = [w_v[pl.ds(128 + 16 * j, 16)] for j in range(8)]
    b_vec = jnp.take(b_v[...], jnp.zeros((LANES,), jnp.int32))

    lane = lax.iota(jnp.int32, LANES)
    first_lane = lane == 0
    perms = [lane ^ (1 << p) for p in range(4)]

    def out_copy(c):
        return pltpu.make_async_copy(
            out_v.at[pl.ds(c * CHUNK, CHUNK)],
            out_hbm.at[pl.ds(base + c * CHUNK, CHUNK)], sem_o)

    def compute(c, buf):
        @plsc.parallel_loop(0, CHUNK, unroll=1)
        def row(i):
            prods = [srows[buf, i, pl.ds(16 * j, 16)] * ws[j]
                     for j in range(8)]
            prods += [erows[buf, i, pl.ds(16 * j, 16)] * we[j]
                      for j in range(8)]
            while len(prods) > 1:
                prods = [prods[k] + prods[k + 1]
                         for k in range(0, len(prods), 2)]
            acc = prods[0]
            for p in perms:
                acc = acc + jnp.take(acc, p)
            idx = jnp.full((LANES,), c * CHUNK + i, jnp.int32)
            plsc.store_scatter(out_v, [idx], acc, mask=first_lane)

        @plsc.parallel_loop(0, CHUNK, step=LANES, unroll=2)
        def sig(k):
            v = out_v[pl.ds(c * CHUNK + k, LANES)] + b_vec
            out_v[pl.ds(c * CHUNK + k, LANES)] = 1.0 / (1.0 + jnp.exp(-v))

        out_copy(c).start()

    npair = nchunk // 2

    def pair(cp, _):
        c0 = 2 * cp
        start(c0 + 1, 1)
        wait(c0, 0)
        compute(c0, 0)

        @pl.when(cp + 1 < npair)
        def _():
            start(c0 + 2, 0)

        wait(c0 + 1, 1)
        compute(c0 + 1, 1)
        return 0

    lax.fori_loop(0, npair, pair, 0)

    def drain(c, _):
        out_copy(c).wait()
        return 0

    lax.fori_loop(0, nchunk, drain, 0)


def kernel(student_id, exercise_id, student_table, exercise_table, W, b):
    B = student_id.shape[0]
    b_per_w = B // NW
    sid = student_id.astype(jnp.int32)
    eid = exercise_id.astype(jnp.int32)
    w_flat = W.reshape(-1).astype(jnp.float32)
    b1 = b.astype(jnp.float32)

    mesh = plsc.VectorSubcoreMesh(core_axis_name="c", subcore_axis_name="s")
    run = pl.kernel(
        functools.partial(_sc_body, b_per_w=b_per_w),
        out_type=jax.ShapeDtypeStruct((B,), jnp.float32),
        mesh=mesh,
        compiler_params=pltpu.CompilerParams(needs_layout_passes=False),
        scratch_types=[
            pltpu.VMEM((b_per_w,), jnp.int32),
            pltpu.VMEM((b_per_w,), jnp.int32),
            pltpu.VMEM((2, CHUNK, D), jnp.float32),
            pltpu.VMEM((2, CHUNK, D), jnp.float32),
            pltpu.VMEM((2 * D,), jnp.float32),
            pltpu.VMEM((LANES,), jnp.float32),
            pltpu.VMEM((b_per_w,), jnp.float32),
            pltpu.SemaphoreType.DMA,
            pltpu.SemaphoreType.DMA,
            pltpu.SemaphoreType.DMA,
            pltpu.SemaphoreType.DMA,
        ],
    )
    return run(sid, eid, student_table, exercise_table, w_flat, b1)

# --- scband reference (transcript-rebuilt; emitter-appended) ---
"""Pipeline reference for scband-mcd-72559177498702 (READ-ONLY COPY).

The authoritative reference and input builder live on the scoring server;
editing this copy changes nothing except your own understanding.
"""

import jax, jax.numpy as jnp
import numpy as np

STUDENT_NUM = 1000000
EXERCISE_NUM = 100000
KNOWLEDGE_NUM = 128
BATCH = 16384


def setup_inputs(seed: int = 0) -> dict:
    key = jax.random.key(seed)
    k1, k2, k3, k4, k5, k6 = jax.random.split(key, 6)
    student_id = jax.random.randint(k1, (BATCH,), 0, STUDENT_NUM, dtype=jnp.int64 if jax.config.jax_enable_x64 else jnp.int32)
    exercise_id = jax.random.randint(k2, (BATCH,), 0, EXERCISE_NUM, dtype=jnp.int64 if jax.config.jax_enable_x64 else jnp.int32)
    student_table = jax.random.normal(k3, (STUDENT_NUM, KNOWLEDGE_NUM), dtype=jnp.float32)
    exercise_table = jax.random.normal(k4, (EXERCISE_NUM, KNOWLEDGE_NUM), dtype=jnp.float32)
    # nn.Linear(2*K, 1): weight [1, 2K], bias [1]; store transposed for matmul
    W = jax.random.uniform(k5, (2 * KNOWLEDGE_NUM, 1), dtype=jnp.float32, minval=-1.0, maxval=1.0) / jnp.sqrt(2.0 * KNOWLEDGE_NUM)
    b = jax.random.uniform(k6, (1,), dtype=jnp.float32, minval=-1.0, maxval=1.0) / jnp.sqrt(2.0 * KNOWLEDGE_NUM)
    return {
        "student_id": student_id,
        "exercise_id": exercise_id,
        "student_table": student_table,
        "exercise_table": exercise_table,
        "W": W,
        "b": b,
    }


def reference(student_id, exercise_id, student_table, exercise_table, W, b):
    student = jnp.take(student_table, student_id, axis=0)
    exercise = jnp.take(exercise_table, exercise_id, axis=0)
    feats = jnp.concatenate([student, exercise], axis=-1)
    response = feats @ W + b
    response = jax.nn.sigmoid(response)
    return jnp.squeeze(response, axis=-1)

if __name__ == "__main__":
    import jax
    _d = setup_inputs()
    print(jax.jit(kernel)(*tuple(_d.values())))

</pallas_src>

<mosaic_0001>
#map = affine_map<(d0, d1) -> (0)>
#map1 = affine_map<(d0, d1) -> (0, 0)>
module attributes {stable_mosaic.version = 14 : i64} {
  func.func @_sc_body(%arg0: i32, %arg1: i32, %arg2: memref<16384xi32, #tpu.memory_space<hbm>>, %arg3: memref<16384xi32, #tpu.memory_space<hbm>>, %arg4: memref<1000000x128xf32, #tpu.memory_space<hbm>>, %arg5: memref<100000x128xf32, #tpu.memory_space<hbm>>, %arg6: memref<256xf32, #tpu.memory_space<hbm>>, %arg7: memref<1xf32, #tpu.memory_space<hbm>>, %arg8: memref<16384xf32, #tpu.memory_space<hbm>>, %arg9: memref<512xi32, #tpu.memory_space<vmem>>, %arg10: memref<512xi32, #tpu.memory_space<vmem>>, %arg11: memref<2x128x128xf32, #tpu.memory_space<vmem>>, %arg12: memref<2x128x128xf32, #tpu.memory_space<vmem>>, %arg13: memref<256xf32, #tpu.memory_space<vmem>>, %arg14: memref<16xf32, #tpu.memory_space<vmem>>, %arg15: memref<512xf32, #tpu.memory_space<vmem>>, %arg16: memref<!tpu.dma_semaphore, #tpu.memory_space<semaphore_mem>>, %arg17: memref<!tpu.dma_semaphore, #tpu.memory_space<semaphore_mem>>, %arg18: memref<!tpu.dma_semaphore, #tpu.memory_space<semaphore_mem>>, %arg19: memref<!tpu.dma_semaphore, #tpu.memory_space<semaphore_mem>>) attributes {dimension_semantics = [#tpu.dimension_semantics<core_parallel>, #tpu.dimension_semantics<subcore_parallel>], iteration_bounds = array<i64: 2, 16>, scalar_prefetch = 0 : i64, scratch_operands = 11 : i64, tpu.core_type = #tpu.core_type<sc_vector_subcore>, window_params = [{transform_indices = #map}, {transform_indices = #map}, {transform_indices = #map1}, {transform_indices = #map1}, {transform_indices = #map}, {transform_indices = #map}, {transform_indices = #map}]} {
    %mul3A = arith.constant 2 : i32
    %mul3A_0 = arith.muli %arg1, %mul3A : i32
    %add3A = arith.addi %mul3A_0, %arg0 : i32
    %mul3A_1 = arith.constant 512 : i32
    %mul3A_2 = arith.muli %add3A, %mul3A_1 : i32
    %dma_start3A = arith.constant 0 : i32
    %dma_start3A_3 = tpu.memref_slice %arg9[%dma_start3A] : memref<512xi32, #tpu.memory_space<vmem>> -> memref<256xi32, #tpu.memory_space<vmem>>
    %dma_start3A_4 = tpu.memref_slice %arg2[%mul3A_2] : memref<16384xi32, #tpu.memory_space<hbm>> -> memref<256xi32, #tpu.memory_space<hbm>>
    %dma_start3A_5 = arith.constant 0 : i32
    %dma_start3A_6 = tpu.memref_slice %arg9[%dma_start3A_5] : memref<512xi32, #tpu.memory_space<vmem>> -> memref<256xi32, #tpu.memory_space<vmem>>
    %dma_start3A_7 = tpu.memref_slice %arg2[%mul3A_2] : memref<16384xi32, #tpu.memory_space<hbm>> -> memref<256xi32, #tpu.memory_space<hbm>>
    tpu.enqueue_dma source(%dma_start3A_7 : memref<256xi32, #tpu.memory_space<hbm>>) target(%dma_start3A_6 : memref<256xi32, #tpu.memory_space<vmem>>) target_semaphore(%arg16 : memref<!tpu.dma_semaphore, #tpu.memory_space<semaphore_mem>>)
    %dma_start3A_8 = arith.constant 0 : i32
    %dma_start3A_9 = tpu.memref_slice %arg10[%dma_start3A_8] : memref<512xi32, #tpu.memory_space<vmem>> -> memref<256xi32, #tpu.memory_space<vmem>>
    %dma_start3A_10 = tpu.memref_slice %arg3[%mul3A_2] : memref<16384xi32, #tpu.memory_space<hbm>> -> memref<256xi32, #tpu.memory_space<hbm>>
    %dma_start3A_11 = arith.constant 0 : i32
    %dma_start3A_12 = tpu.memref_slice %arg10[%dma_start3A_11] : memref<512xi32, #tpu.memory_space<vmem>> -> memref<256xi32, #tpu.memory_space<vmem>>
    %dma_start3A_13 = tpu.memref_slice %arg3[%mul3A_2] : memref<16384xi32, #tpu.memory_space<hbm>> -> memref<256xi32, #tpu.memory_space<hbm>>
    tpu.enqueue_dma source(%dma_start3A_13 : memref<256xi32, #tpu.memory_space<hbm>>) target(%dma_start3A_12 : memref<256xi32, #tpu.memory_space<vmem>>) target_semaphore(%arg17 : memref<!tpu.dma_semaphore, #tpu.memory_space<semaphore_mem>>)
    %add3A_14 = arith.constant 256 : i32
    %add3A_15 = arith.addi %mul3A_2, %add3A_14 : i32
    %dma_start3A_16 = arith.constant 256 : i32
    %dma_start3A_17 = tpu.memref_slice %arg9[%dma_start3A_16] : memref<512xi32, #tpu.memory_space<vmem>> -> memref<256xi32, #tpu.memory_space<vmem>>
    %dma_start3A_18 = tpu.memref_slice %arg2[%add3A_15] : memref<16384xi32, #tpu.memory_space<hbm>> -> memref<256xi32, #tpu.memory_space<hbm>>
    %dma_start3A_19 = arith.constant 256 : i32
    %dma_start3A_20 = tpu.memref_slice %arg9[%dma_start3A_19] : memref<512xi32, #tpu.memory_space<vmem>> -> memref<256xi32, #tpu.memory_space<vmem>>
    %dma_start3A_21 = tpu.memref_slice %arg2[%add3A_15] : memref<16384xi32, #tpu.memory_space<hbm>> -> memref<256xi32, #tpu.memory_space<hbm>>
    tpu.enqueue_dma source(%dma_start3A_21 : memref<256xi32, #tpu.memory_space<hbm>>) target(%dma_start3A_20 : memref<256xi32, #tpu.memory_space<vmem>>) target_semaphore(%arg18 : memref<!tpu.dma_semaphore, #tpu.memory_space<semaphore_mem>>)
    %add3A_22 = arith.constant 256 : i32
    %add3A_23 = arith.addi %mul3A_2, %add3A_22 : i32
    %dma_start3A_24 = arith.constant 256 : i32
    %dma_start3A_25 = tpu.memref_slice %arg10[%dma_start3A_24] : memref<512xi32, #tpu.memory_space<vmem>> -> memref<256xi32, #tpu.memory_space<vmem>>
    %dma_start3A_26 = tpu.memref_slice %arg3[%add3A_23] : memref<16384xi32, #tpu.memory_space<hbm>> -> memref<256xi32, #tpu.memory_space<hbm>>
    %dma_start3A_27 = arith.constant 256 : i32
    %dma_start3A_28 = tpu.memref_slice %arg10[%dma_start3A_27] : memref<512xi32, #tpu.memory_space<vmem>> -> memref<256xi32, #tpu.memory_space<vmem>>
    %dma_start3A_29 = tpu.memref_slice %arg3[%add3A_23] : memref<16384xi32, #tpu.memory_space<hbm>> -> memref<256xi32, #tpu.memory_space<hbm>>
    tpu.enqueue_dma source(%dma_start3A_29 : memref<256xi32, #tpu.memory_space<hbm>>) target(%dma_start3A_28 : memref<256xi32, #tpu.memory_space<vmem>>) target_semaphore(%arg18 : memref<!tpu.dma_semaphore, #tpu.memory_space<semaphore_mem>>)
    tpu.enqueue_dma source(%arg6 : memref<256xf32, #tpu.memory_space<hbm>>) target(%arg13 : memref<256xf32, #tpu.memory_space<vmem>>) target_semaphore(%arg18 : memref<!tpu.dma_semaphore, #tpu.memory_space<semaphore_mem>>)
    %dma_start3A_30 = arith.constant 0 : i32
    %dma_start3A_31 = tpu.memref_slice %arg14[%dma_start3A_30] : memref<16xf32, #tpu.memory_space<vmem>> -> memref<1xf32, #tpu.memory_space<vmem>>
    %dma_start3A_32 = arith.constant 0 : i32
    %dma_start3A_33 = tpu.memref_slice %arg14[%dma_start3A_32] : memref<16xf32, #tpu.memory_space<vmem>> -> memref<1xf32, #tpu.memory_space<vmem>>
    tpu.enqueue_dma source(%arg7 : memref<1xf32, #tpu.memory_space<hbm>>) target(%dma_start3A_33 : memref<1xf32, #tpu.memory_space<vmem>>) target_semaphore(%arg18 : memref<!tpu.dma_semaphore, #tpu.memory_space<semaphore_mem>>)
    %dma_wait3A = arith.constant 0 : i32
    %dma_wait3A_34 = tpu.memref_slice %arg9[%dma_wait3A] : memref<512xi32, #tpu.memory_space<vmem>> -> memref<256xi32, #tpu.memory_space<vmem>>
    %dma_wait3A_35 = tpu.memref_slice %arg2[%mul3A_2] : memref<16384xi32, #tpu.memory_space<hbm>> -> memref<256xi32, #tpu.memory_space<hbm>>
    %dma_wait3A_36 = arith.constant 0 : i32
    %dma_wait3A_37 = tpu.memref_slice %arg9[%dma_wait3A_36] : memref<512xi32, #tpu.memory_space<vmem>> -> memref<256xi32, #tpu.memory_space<vmem>>
    %dma_wait3A_38 = tpu.memref_slice %arg2[%mul3A_2] : memref<16384xi32, #tpu.memory_space<hbm>> -> memref<256xi32, #tpu.memory_space<hbm>>
    tpu.wait_dma2 semaphore(%arg16 : memref<!tpu.dma_semaphore, #tpu.memory_space<semaphore_mem>>) src(%dma_wait3A_38 : memref<256xi32, #tpu.memory_space<hbm>>) dst(%dma_wait3A_37 : memref<256xi32, #tpu.memory_space<vmem>>)
    %dma_wait3A_39 = arith.constant 0 : i32
    %dma_wait3A_40 = tpu.memref_slice %arg10[%dma_wait3A_39] : memref<512xi32, #tpu.memory_space<vmem>> -> memref<256xi32, #tpu.memory_space<vmem>>
    %dma_wait3A_41 = tpu.memref_slice %arg3[%mul3A_2] : memref<16384xi32, #tpu.memory_space<hbm>> -> memref<256xi32, #tpu.memory_space<hbm>>
    %dma_wait3A_42 = arith.constant 0 : i32
    %dma_wait3A_43 = tpu.memref_slice %arg10[%dma_wait3A_42] : memref<512xi32, #tpu.memory_space<vmem>> -> memref<256xi32, #tpu.memory_space<vmem>>
    %dma_wait3A_44 = tpu.memref_slice %arg3[%mul3A_2] : memref<16384xi32, #tpu.memory_space<hbm>> -> memref<256xi32, #tpu.memory_space<hbm>>
    tpu.wait_dma2 semaphore(%arg17 : memref<!tpu.dma_semaphore, #tpu.memory_space<semaphore_mem>>) src(%dma_wait3A_44 : memref<256xi32, #tpu.memory_space<hbm>>) dst(%dma_wait3A_43 : memref<256xi32, #tpu.memory_space<vmem>>)
    %dma_start3A_45 = arith.constant 0 : i32
    %dma_start3A_46 = arith.constant 0 : i32
    %dma_start3A_47 = arith.constant 0 : i32
    %dma_start3A_48 = tpu.memref_slice %arg11[%dma_start3A_45, %dma_start3A_46, %dma_start3A_47] : memref<2x128x128xf32, #tpu.memory_space<vmem>> -> memref<1x128x128xf32, #tpu.memory_space<vmem>>
    %dma_start3A_49 = tpu.memref_squeeze %dma_start3A_48 : memref<1x128x128xf32, #tpu.memory_space<vmem>> -> memref<128x128xf32, #tpu.memory_space<vmem>>
    %dma_start3A_50 = arith.constant 0 : i32
    %dma_start3A_51 = tpu.memref_slice %arg9[%dma_start3A_50] : memref<512xi32, #tpu.memory_space<vmem>> -> memref<128xi32, #tpu.memory_space<vmem>>
    %dma_start3A_52 = arith.constant 0 : i32
    %dma_start3A_53 = arith.constant 0 : i32
    %dma_start3A_54 = tpu.memref_slice %arg4[%dma_start3A_52, %dma_start3A_53] : memref<1000000x128xf32, #tpu.memory_space<hbm>> -> memref<1000000x128xf32, #tpu.memory_space<hbm>>
    tpu.enqueue_indirect_dma source(%dma_start3A_54 : memref<1000000x128xf32, #tpu.memory_space<hbm>>) target(%dma_start3A_49 : memref<128x128xf32, #tpu.memory_space<vmem>>) offsets(%dma_start3A_51 : memref<128xi32, #tpu.memory_space<vmem>>) semaphore(%arg16 : memref<!tpu.dma_semaphore, #tpu.memory_space<semaphore_mem>>)
    %dma_start3A_55 = arith.constant 0 : i32
    %dma_start3A_56 = arith.constant 0 : i32
    %dma_start3A_57 = arith.constant 0 : i32
    %dma_start3A_58 = tpu.memref_slice %arg12[%dma_start3A_55, %dma_start3A_56, %dma_start3A_57] : memref<2x128x128xf32, #tpu.memory_space<vmem>> -> memref<1x128x128xf32, #tpu.memory_space<vmem>>
    %dma_start3A_59 = tpu.memref_squeeze %dma_start3A_58 : memref<1x128x128xf32, #tpu.memory_space<vmem>> -> memref<128x128xf32, #tpu.memory_space<vmem>>
    %dma_start3A_60 = arith.constant 0 : i32
    %dma_start3A_61 = tpu.memref_slice %arg10[%dma_start3A_60] : memref<512xi32, #tpu.memory_space<vmem>> -> memref<128xi32, #tpu.memory_space<vmem>>
    %dma_start3A_62 = arith.constant 0 : i32
    %dma_start3A_63 = arith.constant 0 : i32
    %dma_start3A_64 = tpu.memref_slice %arg5[%dma_start3A_62, %dma_start3A_63] : memref<100000x128xf32, #tpu.memory_space<hbm>> -> memref<100000x128xf32, #tpu.memory_space<hbm>>
    tpu.enqueue_indirect_dma source(%dma_start3A_64 : memref<100000x128xf32, #tpu.memory_space<hbm>>) target(%dma_start3A_59 : memref<128x128xf32, #tpu.memory_space<vmem>>) offsets(%dma_start3A_61 : memref<128xi32, #tpu.memory_space<vmem>>) semaphore(%arg17 : memref<!tpu.dma_semaphore, #tpu.memory_space<semaphore_mem>>)
    %dma_wait3A_65 = arith.constant 256 : i32
    %dma_wait3A_66 = tpu.memref_slice %arg9[%dma_wait3A_65] : memref<512xi32, #tpu.memory_space<vmem>> -> memref<256xi32, #tpu.memory_space<vmem>>
    %dma_wait3A_67 = tpu.memref_slice %arg2[%add3A_15] : memref<16384xi32, #tpu.memory_space<hbm>> -> memref<256xi32, #tpu.memory_space<hbm>>
    %dma_wait3A_68 = arith.constant 256 : i32
    %dma_wait3A_69 = tpu.memref_slice %arg9[%dma_wait3A_68] : memref<512xi32, #tpu.memory_space<vmem>> -> memref<256xi32, #tpu.memory_space<vmem>>
    %dma_wait3A_70 = tpu.memref_slice %arg2[%add3A_15] : memref<16384xi32, #tpu.memory_space<hbm>> -> memref<256xi32, #tpu.memory_space<hbm>>
    tpu.wait_dma2 semaphore(%arg18 : memref<!tpu.dma_semaphore, #tpu.memory_space<semaphore_mem>>) src(%dma_wait3A_70 : memref<256xi32, #tpu.memory_space<hbm>>) dst(%dma_wait3A_69 : memref<256xi32, #tpu.memory_space<vmem>>)
    %dma_wait3A_71 = arith.constant 256 : i32
    %dma_wait3A_72 = tpu.memref_slice %arg10[%dma_wait3A_71] : memref<512xi32, #tpu.memory_space<vmem>> -> memref<256xi32, #tpu.memory_space<vmem>>
    %dma_wait3A_73 = tpu.memref_slice %arg3[%add3A_23] : memref<16384xi32, #tpu.memory_space<hbm>> -> memref<256xi32, #tpu.memory_space<hbm>>
    %dma_wait3A_74 = arith.constant 256 : i32
    %dma_wait3A_75 = tpu.memref_slice %arg10[%dma_wait3A_74] : memref<512xi32, #tpu.memory_space<vmem>> -> memref<256xi32, #tpu.memory_space<vmem>>
    %dma_wait3A_76 = tpu.memref_slice %arg3[%add3A_23] : memref<16384xi32, #tpu.memory_space<hbm>> -> memref<256xi32, #tpu.memory_space<hbm>>
    tpu.wait_dma2 semaphore(%arg18 : memref<!tpu.dma_semaphore, #tpu.memory_space<semaphore_mem>>) src(%dma_wait3A_76 : memref<256xi32, #tpu.memory_space<hbm>>) dst(%dma_wait3A_75 : memref<256xi32, #tpu.memory_space<vmem>>)
    tpu.wait_dma2 semaphore(%arg18 : memref<!tpu.dma_semaphore, #tpu.memory_space<semaphore_mem>>) src(%arg6 : memref<256xf32, #tpu.memory_space<hbm>>) dst(%arg13 : memref<256xf32, #tpu.memory_space<vmem>>)
    %dma_wait3A_77 = arith.constant 0 : i32
    %dma_wait3A_78 = tpu.memref_slice %arg14[%dma_wait3A_77] : memref<16xf32, #tpu.memory_space<vmem>> -> memref<1xf32, #tpu.memory_space<vmem>>
    %dma_wait3A_79 = arith.constant 0 : i32
    %dma_wait3A_80 = tpu.memref_slice %arg14[%dma_wait3A_79] : memref<16xf32, #tpu.memory_space<vmem>> -> memref<1xf32, #tpu.memory_space<vmem>>
    tpu.wait_dma2 semaphore(%arg18 : memref<!tpu.dma_semaphore, #tpu.memory_space<semaphore_mem>>) src(%arg7 : memref<1xf32, #tpu.memory_space<hbm>>) dst(%dma_wait3A_80 : memref<1xf32, #tpu.memory_space<vmem>>)
    %get3A = arith.constant 0 : index
    %get3A_81 = tpu.vector_load %arg13[%get3A] {strides = array<i32>} : memref<256xf32, #tpu.memory_space<vmem>>, vector<16xf32>,
    %get3A_82 = arith.constant 16 : index
    %get3A_83 = tpu.vector_load %arg13[%get3A_82] {strides = array<i32>} : memref<256xf32, #tpu.memory_space<vmem>>, vector<16xf32>,
    %get3A_84 = arith.constant 32 : index
    %get3A_85 = tpu.vector_load %arg13[%get3A_84] {strides = array<i32>} : memref<256xf32, #tpu.memory_space<vmem>>, vector<16xf32>,
    %get3A_86 = arith.constant 48 : index
    %get3A_87 = tpu.vector_load %arg13[%get3A_86] {strides = array<i32>} : memref<256xf32, #tpu.memory_space<vmem>>, vector<16xf32>,
    %get3A_88 = arith.constant 64 : index
    %get3A_89 = tpu.vector_load %arg13[%get3A_88] {strides = array<i32>} : memref<256xf32, #tpu.memory_space<vmem>>, vector<16xf32>,
    %get3A_90 = arith.constant 80 : index
    %get3A_91 = tpu.vector_load %arg13[%get3A_90] {strides = array<i32>} : memref<256xf32, #tpu.memory_space<vmem>>, vector<16xf32>,
    %get3A_92 = arith.constant 96 : index
    %get3A_93 = tpu.vector_load %arg13[%get3A_92] {strides = array<i32>} : memref<256xf32, #tpu.memory_space<vmem>>, vector<16xf32>,
    %get3A_94 = arith.constant 112 : index
    %get3A_95 = tpu.vector_load %arg13[%get3A_94] {strides = array<i32>} : memref<256xf32, #tpu.memory_space<vmem>>, vector<16xf32>,
    %get3A_96 = arith.constant 128 : index
    %get3A_97 = tpu.vector_load %arg13[%get3A_96] {strides = array<i32>} : memref<256xf32, #tpu.memory_space<vmem>>, vector<16xf32>,
    %get3A_98 = arith.constant 144 : index
    %get3A_99 = tpu.vector_load %arg13[%get3A_98] {strides = array<i32>} : memref<256xf32, #tpu.memory_space<vmem>>, vector<16xf32>,
    %get3A_100 = arith.constant 160 : index
    %get3A_101 = tpu.vector_load %arg13[%get3A_100] {strides = array<i32>} : memref<256xf32, #tpu.memory_space<vmem>>, vector<16xf32>,
    %get3A_102 = arith.constant 176 : index
    %get3A_103 = tpu.vector_load %arg13[%get3A_102] {strides = array<i32>} : memref<256xf32, #tpu.memory_space<vmem>>, vector<16xf32>,
    %get3A_104 = arith.constant 192 : index
    %get3A_105 = tpu.vector_load %arg13[%get3A_104] {strides = array<i32>} : memref<256xf32, #tpu.memory_space<vmem>>, vector<16xf32>,
    %get3A_106 = arith.constant 208 : index
    %get3A_107 = tpu.vector_load %arg13[%get3A_106] {strides = array<i32>} : memref<256xf32, #tpu.memory_space<vmem>>, vector<16xf32>,
    %get3A_108 = arith.constant 224 : index
    %get3A_109 = tpu.vector_load %arg13[%get3A_108] {strides = array<i32>} : memref<256xf32, #tpu.memory_space<vmem>>, vector<16xf32>,
    %get3A_110 = arith.constant 240 : index
    %get3A_111 = tpu.vector_load %arg13[%get3A_110] {strides = array<i32>} : memref<256xf32, #tpu.memory_space<vmem>>, vector<16xf32>,
    %get3A_112 = arith.constant 0 : index
    %get3A_113 = tpu.vector_load %arg14[%get3A_112] {strides = array<i32>} : memref<16xf32, #tpu.memory_space<vmem>>, vector<16xf32>,
    %broadcast_in_dim3A = arith.constant 0 : i32
    %broadcast_in_dim3A_114 = vector.broadcast %broadcast_in_dim3A : i32 to vector<16xi32>
    %lt3A = arith.constant 0 : i32
    %lt3A_115 = vector.broadcast %lt3A : i32 to vector<16xi32>
    %lt3A_116 = arith.cmpi slt, %broadcast_in_dim3A_114, %lt3A_115 : vector<16xi32>
    %add3A_117 = arith.constant 16 : i32
    %add3A_118 = vector.broadcast %add3A_117 : i32 to vector<16xi32>
    %add3A_119 = arith.addi %broadcast_in_dim3A_114, %add3A_118 : vector<16xi32>
    %select_n3A = arith.select %lt3A_116, %add3A_119, %broadcast_in_dim3A_114 : vector<16xi1>, vector<16xi32>
    %broadcast_in_dim3A_120 = vector.shape_cast %select_n3A : vector<16xi32> to vector<16x1xi32>
    %gather3A = vector.shape_cast %broadcast_in_dim3A_120 : vector<16x1xi32> to vector<16xi32>
    %gather3A_121 = tpu.dynamic_gather %get3A_113[%gather3A] in [0] : vector<16xf32>, vector<16xi32> -> vector<16xf32>
    %iota3A = tpu.iota {dimensions = array<i32: 0>} : vector<16xi32>
    %eq3A = arith.constant 0 : i32
    %eq3A_122 = vector.broadcast %eq3A : i32 to vector<16xi32>
    %eq3A_123 = arith.cmpi eq, %iota3A, %eq3A_122 : vector<16xi32>
    %xor3A = arith.constant 1 : i32
    %xor3A_124 = vector.broadcast %xor3A : i32 to vector<16xi32>
    %xor3A_125 = arith.xori %iota3A, %xor3A_124 : vector<16xi32>
    %xor3A_126 = arith.constant 2 : i32
    %xor3A_127 = vector.broadcast %xor3A_126 : i32 to vector<16xi32>
    %xor3A_128 = arith.xori %iota3A, %xor3A_127 : vector<16xi32>
    %xor3A_129 = arith.constant 4 : i32
    %xor3A_130 = vector.broadcast %xor3A_129 : i32 to vector<16xi32>
    %xor3A_131 = arith.xori %iota3A, %xor3A_130 : vector<16xi32>
    %xor3A_132 = arith.constant 8 : i32
    %xor3A_133 = vector.broadcast %xor3A_132 : i32 to vector<16xi32>
    %xor3A_134 = arith.xori %iota3A, %xor3A_133 : vector<16xi32>
    %scan3A = arith.constant 0 : i32
    %scan3A_135 = arith.constant 0 : i32
    %scan3A_136 = arith.constant 2 : i32
    %scan3A_137 = arith.addi %scan3A_135, %scan3A_136 : i32
    %scan3A_138 = arith.constant 1 : i32
    %scan3A_139 = scf.for %scan3A_148 = %scan3A_135 to %scan3A_137 step %scan3A_138 iter_args(%scan3A_149 = %scan3A) -> (i32)  : i32 {
      %mul3A_150 = arith.constant 2 : i32
      %mul3A_151 = arith.muli %mul3A_150, %scan3A_148 : i32
      %add3A_152 = arith.constant 1 : i32
      %add3A_153 = arith.addi %mul3A_151, %add3A_152 : i32
      %mul3A_154 = arith.constant 128 : i32
      %mul3A_155 = arith.muli %add3A_153, %mul3A_154 : i32
      %dma_start3A_156 = arith.constant 1 : i32
      %dma_start3A_157 = arith.constant 0 : i32
      %dma_start3A_158 = arith.constant 0 : i32
      %dma_start3A_159 = tpu.memref_slice %arg11[%dma_start3A_156, %dma_start3A_157, %dma_start3A_158] : memref<2x128x128xf32, #tpu.memory_space<vmem>> -> memref<1x128x128xf32, #tpu.memory_space<vmem>>
      %dma_start3A_160 = tpu.memref_squeeze %dma_start3A_159 : memref<1x128x128xf32, #tpu.memory_space<vmem>> -> memref<128x128xf32, #tpu.memory_space<vmem>>
      %dma_start3A_161 = tpu.memref_slice %arg9[%mul3A_155] : memref<512xi32, #tpu.memory_space<vmem>> -> memref<128xi32, #tpu.memory_space<vmem>>
      %dma_start3A_162 = arith.constant 0 : i32
      %dma_start3A_163 = arith.constant 0 : i32
      %dma_start3A_164 = tpu.memref_slice %arg4[%dma_start3A_162, %dma_start3A_163] : memref<1000000x128xf32, #tpu.memory_space<hbm>> -> memref<1000000x128xf32, #tpu.memory_space<hbm>>
      tpu.enqueue_indirect_dma source(%dma_start3A_164 : memref<1000000x128xf32, #tpu.memory_space<hbm>>) target(%dma_start3A_160 : memref<128x128xf32, #tpu.memory_space<vmem>>) offsets(%dma_start3A_161 : memref<128xi32, #tpu.memory_space<vmem>>) semaphore(%arg16 : memref<!tpu.dma_semaphore, #tpu.memory_space<semaphore_mem>>)
      %mul3A_165 = arith.constant 128 : i32
      %mul3A_166 = arith.muli %add3A_153, %mul3A_165 : i32
      %dma_start3A_167 = arith.constant 1 : i32
      %dma_start3A_168 = arith.constant 0 : i32
      %dma_start3A_169 = arith.constant 0 : i32
      %dma_start3A_170 = tpu.memref_slice %arg12[%dma_start3A_167, %dma_start3A_168, %dma_start3A_169] : memref<2x128x128xf32, #tpu.memory_space<vmem>> -> memref<1x128x128xf32, #tpu.memory_space<vmem>>
      %dma_start3A_171 = tpu.memref_squeeze %dma_start3A_170 : memref<1x128x128xf32, #tpu.memory_space<vmem>> -> memref<128x128xf32, #tpu.memory_space<vmem>>
      %dma_start3A_172 = tpu.memref_slice %arg10[%mul3A_166] : memref<512xi32, #tpu.memory_space<vmem>> -> memref<128xi32, #tpu.memory_space<vmem>>
      %dma_start3A_173 = arith.constant 0 : i32
      %dma_start3A_174 = arith.constant 0 : i32
      %dma_start3A_175 = tpu.memref_slice %arg5[%dma_start3A_173, %dma_start3A_174] : memref<100000x128xf32, #tpu.memory_space<hbm>> -> memref<100000x128xf32, #tpu.memory_space<hbm>>
      tpu.enqueue_indirect_dma source(%dma_start3A_175 : memref<100000x128xf32, #tpu.memory_space<hbm>>) target(%dma_start3A_171 : memref<128x128xf32, #tpu.memory_space<vmem>>) offsets(%dma_start3A_172 : memref<128xi32, #tpu.memory_space<vmem>>) semaphore(%arg17 : memref<!tpu.dma_semaphore, #tpu.memory_space<semaphore_mem>>)
      %mul3A_176 = arith.constant 128 : i32
      %mul3A_177 = arith.muli %mul3A_151, %mul3A_176 : i32
      %dma_wait3A_178 = arith.constant 0 : i32
      %dma_wait3A_179 = arith.constant 0 : i32
      %dma_wait3A_180 = arith.constant 0 : i32
      %dma_wait3A_181 = tpu.memref_slice %arg11[%dma_wait3A_178, %dma_wait3A_179, %dma_wait3A_180] : memref<2x128x128xf32, #tpu.memory_space<vmem>> -> memref<1x128x128xf32, #tpu.memory_space<vmem>>
      %dma_wait3A_182 = tpu.memref_squeeze %dma_wait3A_181 : memref<1x128x128xf32, #tpu.memory_space<vmem>> -> memref<128x128xf32, #tpu.memory_space<vmem>>
      %dma_wait3A_183 = tpu.memref_slice %arg9[%mul3A_177] : memref<512xi32, #tpu.memory_space<vmem>> -> memref<128xi32, #tpu.memory_space<vmem>>
      %dma_wait3A_184 = arith.constant 0 : i32
      %dma_wait3A_185 = arith.constant 0 : i32
      %dma_wait3A_186 = tpu.memref_slice %arg4[%dma_wait3A_184, %dma_wait3A_185] : memref<1000000x128xf32, #tpu.memory_space<hbm>> -> memref<1000000x128xf32, #tpu.memory_space<hbm>>
      tpu.wait_indirect_dma semaphore(%arg16 : memref<!tpu.dma_semaphore, #tpu.memory_space<semaphore_mem>>) src(%dma_wait3A_186 : memref<1000000x128xf32, #tpu.memory_space<hbm>>) dst(%dma_wait3A_182 : memref<128x128xf32, #tpu.memory_space<vmem>>)
      %mul3A_187 = arith.constant 128 : i32
      %mul3A_188 = arith.muli %mul3A_151, %mul3A_187 : i32
      %dma_wait3A_189 = arith.constant 0 : i32
      %dma_wait3A_190 = arith.constant 0 : i32
      %dma_wait3A_191 = arith.constant 0 : i32
      %dma_wait3A_192 = tpu.memref_slice %arg12[%dma_wait3A_189, %dma_wait3A_190, %dma_wait3A_191] : memref<2x128x128xf32, #tpu.memory_space<vmem>> -> memref<1x128x128xf32, #tpu.memory_space<vmem>>
      %dma_wait3A_193 = tpu.memref_squeeze %dma_wait3A_192 : memref<1x128x128xf32, #tpu.memory_space<vmem>> -> memref<128x128xf32, #tpu.memory_space<vmem>>
      %dma_wait3A_194 = tpu.memref_slice %arg10[%mul3A_188] : memref<512xi32, #tpu.memory_space<vmem>> -> memref<128xi32, #tpu.memory_space<vmem>>
      %dma_wait3A_195 = arith.constant 0 : i32
      %dma_wait3A_196 = arith.constant 0 : i32
      %dma_wait3A_197 = tpu.memref_slice %arg5[%dma_wait3A_195, %dma_wait3A_196] : memref<100000x128xf32, #tpu.memory_space<hbm>> -> memref<100000x128xf32, #tpu.memory_space<hbm>>
      tpu.wait_indirect_dma semaphore(%arg17 : memref<!tpu.dma_semaphore, #tpu.memory_space<semaphore_mem>>) src(%dma_wait3A_197 : memref<100000x128xf32, #tpu.memory_space<hbm>>) dst(%dma_wait3A_193 : memref<128x128xf32, #tpu.memory_space<vmem>>)
      %parallel_loop3A = arith.constant 0 : i32
      %parallel_loop3A_198 = arith.constant 128 : i32
      %parallel_loop3A_199 = arith.constant 1 : i32
      scf.for %parallel_loop3A_259 = %parallel_loop3A to %parallel_loop3A_198 step %parallel_loop3A_199  : i32 {
        %parallel_loop3A_260 = arith.constant 0 : i32
        %parallel_loop3A_261 = arith.index_cast %parallel_loop3A_260 : i32 to index
        %parallel_loop3A_262 = arith.index_cast %parallel_loop3A_259 : i32 to index
        %parallel_loop3A_263 = arith.constant 0 : index
        %parallel_loop3A_264 = tpu.vector_load %arg11[%parallel_loop3A_261, %parallel_loop3A_262, %parallel_loop3A_263] {strides = array<i32>} : memref<2x128x128xf32, #tpu.memory_space<vmem>>, vector<16xf32>,
        %parallel_loop3A_265 = arith.mulf %parallel_loop3A_264, %get3A_81 : vector<16xf32>
        %parallel_loop3A_266 = arith.constant 0 : i32
        %parallel_loop3A_267 = arith.index_cast %parallel_loop3A_266 : i32 to index
        %parallel_loop3A_268 = arith.index_cast %parallel_loop3A_259 : i32 to index
        %parallel_loop3A_269 = arith.constant 16 : index
        %parallel_loop3A_270 = tpu.vector_load %arg11[%parallel_loop3A_267, %parallel_loop3A_268, %parallel_loop3A_269] {strides = array<i32>} : memref<2x128x128xf32, #tpu.memory_space<vmem>>, vector<16xf32>,
        %parallel_loop3A_271 = arith.mulf %parallel_loop3A_270, %get3A_83 : vector<16xf32>
        %parallel_loop3A_272 = arith.constant 0 : i32
        %parallel_loop3A_273 = arith.index_cast %parallel_loop3A_272 : i32 to index
        %parallel_loop3A_274 = arith.index_cast %parallel_loop3A_259 : i32 to index
        %parallel_loop3A_275 = arith.constant 32 : index
        %parallel_loop3A_276 = tpu.vector_load %arg11[%parallel_loop3A_273, %parallel_loop3A_274, %parallel_loop3A_275] {strides = array<i32>} : memref<2x128x128xf32, #tpu.memory_space<vmem>>, vector<16xf32>,
        %parallel_loop3A_277 = arith.mulf %parallel_loop3A_276, %get3A_85 : vector<16xf32>
        %parallel_loop3A_278 = arith.constant 0 : i32
        %parallel_loop3A_279 = arith.index_cast %parallel_loop3A_278 : i32 to index
        %parallel_loop3A_280 = arith.index_cast %parallel_loop3A_259 : i32 to index
        %parallel_loop3A_281 = arith.constant 48 : index
        %parallel_loop3A_282 = tpu.vector_load %arg11[%parallel_loop3A_279, %parallel_loop3A_280, %parallel_loop3A_281] {strides = array<i32>} : memref<2x128x128xf32, #tpu.memory_space<vmem>>, vector<16xf32>,
        %parallel_loop3A_283 = arith.mulf %parallel_loop3A_282, %get3A_87 : vector<16xf32>
        %parallel_loop3A_284 = arith.constant 0 : i32
        %parallel_loop3A_285 = arith.index_cast %parallel_loop3A_284 : i32 to index
        %parallel_loop3A_286 = arith.index_cast %parallel_loop3A_259 : i32 to index
        %parallel_loop3A_287 = arith.constant 64 : index
        %parallel_loop3A_288 = tpu.vector_load %arg11[%parallel_loop3A_285, %parallel_loop3A_286, %parallel_loop3A_287] {strides = array<i32>} : memref<2x128x128xf32, #tpu.memory_space<vmem>>, vector<16xf32>,
        %parallel_loop3A_289 = arith.mulf %parallel_loop3A_288, %get3A_89 : vector<16xf32>
        %parallel_loop3A_290 = arith.constant 0 : i32
        %parallel_loop3A_291 = arith.index_cast %parallel_loop3A_290 : i32 to index
        %parallel_loop3A_292 = arith.index_cast %parallel_loop3A_259 : i32 to index
        %parallel_loop3A_293 = arith.constant 80 : index
        %parallel_loop3A_294 = tpu.vector_load %arg11[%parallel_loop3A_291, %parallel_loop3A_292, %parallel_loop3A_293] {strides = array<i32>} : memref<2x128x128xf32, #tpu.memory_space<vmem>>, vector<16xf32>,
        %parallel_loop3A_295 = arith.mulf %parallel_loop3A_294, %get3A_91 : vector<16xf32>
        %parallel_loop3A_296 = arith.constant 0 : i32
        %parallel_loop3A_297 = arith.index_cast %parallel_loop3A_296 : i32 to index
        %parallel_loop3A_298 = arith.index_cast %parallel_loop3A_259 : i32 to index
        %parallel_loop3A_299 = arith.constant 96 : index
        %parallel_loop3A_300 = tpu.vector_load %arg11[%parallel_loop3A_297, %parallel_loop3A_298, %parallel_loop3A_299] {strides = array<i32>} : memref<2x128x128xf32, #tpu.memory_space<vmem>>, vector<16xf32>,
        %parallel_loop3A_301 = arith.mulf %parallel_loop3A_300, %get3A_93 : vector<16xf32>
        %parallel_loop3A_302 = arith.constant 0 : i32
        %parallel_loop3A_303 = arith.index_cast %parallel_loop3A_302 : i32 to index
        %parallel_loop3A_304 = arith.index_cast %parallel_loop3A_259 : i32 to index
        %parallel_loop3A_305 = arith.constant 112 : index
        %parallel_loop3A_306 = tpu.vector_load %arg11[%parallel_loop3A_303, %parallel_loop3A_304, %parallel_loop3A_305] {strides = array<i32>} : memref<2x128x128xf32, #tpu.memory_space<vmem>>, vector<16xf32>,
        %parallel_loop3A_307 = arith.mulf %parallel_loop3A_306, %get3A_95 : vector<16xf32>
        %parallel_loop3A_308 = arith.constant 0 : i32
        %parallel_loop3A_309 = arith.index_cast %parallel_loop3A_308 : i32 to index
        %parallel_loop3A_310 = arith.index_cast %parallel_loop3A_259 : i32 to index
        %parallel_loop3A_311 = arith.constant 0 : index
        %parallel_loop3A_312 = tpu.vector_load %arg12[%parallel_loop3A_309, %parallel_loop3A_310, %parallel_loop3A_311] {strides = array<i32>} : memref<2x128x128xf32, #tpu.memory_space<vmem>>, vector<16xf32>,
        %parallel_loop3A_313 = arith.mulf %parallel_loop3A_312, %get3A_97 : vector<16xf32>
        %parallel_loop3A_314 = arith.constant 0 : i32
        %parallel_loop3A_315 = arith.index_cast %parallel_loop3A_314 : i32 to index
        %parallel_loop3A_316 = arith.index_cast %parallel_loop3A_259 : i32 to index
        %parallel_loop3A_317 = arith.constant 16 : index
        %parallel_loop3A_318 = tpu.vector_load %arg12[%parallel_loop3A_315, %parallel_loop3A_316, %parallel_loop3A_317] {strides = array<i32>} : memref<2x128x128xf32, #tpu.memory_space<vmem>>, vector<16xf32>,
        %parallel_loop3A_319 = arith.mulf %parallel_loop3A_318, %get3A_99 : vector<16xf32>
        %parallel_loop3A_320 = arith.constant 0 : i32
        %parallel_loop3A_321 = arith.index_cast %parallel_loop3A_320 : i32 to index
        %parallel_loop3A_322 = arith.index_cast %parallel_loop3A_259 : i32 to index
        %parallel_loop3A_323 = arith.constant 32 : index
        %parallel_loop3A_324 = tpu.vector_load %arg12[%parallel_loop3A_321, %parallel_loop3A_322, %parallel_loop3A_323] {strides = array<i32>} : memref<2x128x128xf32, #tpu.memory_space<vmem>>, vector<16xf32>,
        %parallel_loop3A_325 = arith.mulf %parallel_loop3A_324, %get3A_101 : vector<16xf32>
        %parallel_loop3A_326 = arith.constant 0 : i32
        %parallel_loop3A_327 = arith.index_cast %parallel_loop3A_326 : i32 to index
        %parallel_loop3A_328 = arith.index_cast %parallel_loop3A_259 : i32 to index
        %parallel_loop3A_329 = arith.constant 48 : index
        %parallel_loop3A_330 = tpu.vector_load %arg12[%parallel_loop3A_327, %parallel_loop3A_328, %parallel_loop3A_329] {strides = array<i32>} : memref<2x128x128xf32, #tpu.memory_space<vmem>>, vector<16xf32>,
        %parallel_loop3A_331 = arith.mulf %parallel_loop3A_330, %get3A_103 : vector<16xf32>
        %parallel_loop3A_332 = arith.constant 0 : i32
        %parallel_loop3A_333 = arith.index_cast %parallel_loop3A_332 : i32 to index
        %parallel_loop3A_334 = arith.index_cast %parallel_loop3A_259 : i32 to index
        %parallel_loop3A_335 = arith.constant 64 : index
        %parallel_loop3A_336 = tpu.vector_load %arg12[%parallel_loop3A_333, %parallel_loop3A_334, %parallel_loop3A_335] {strides = array<i32>} : memref<2x128x128xf32, #tpu.memory_space<vmem>>, vector<16xf32>,
        %parallel_loop3A_337 = arith.mulf %parallel_loop3A_336, %get3A_105 : vector<16xf32>
        %parallel_loop3A_338 = arith.constant 0 : i32
        %parallel_loop3A_339 = arith.index_cast %parallel_loop3A_338 : i32 to index
        %parallel_loop3A_340 = arith.index_cast %parallel_loop3A_259 : i32 to index
        %parallel_loop3A_341 = arith.constant 80 : index
        %parallel_loop3A_342 = tpu.vector_load %arg12[%parallel_loop3A_339, %parallel_loop3A_340, %parallel_loop3A_341] {strides = array<i32>} : memref<2x128x128xf32, #tpu.memory_space<vmem>>, vector<16xf32>,
        %parallel_loop3A_343 = arith.mulf %parallel_loop3A_342, %get3A_107 : vector<16xf32>
        %parallel_loop3A_344 = arith.constant 0 : i32
        %parallel_loop3A_345 = arith.index_cast %parallel_loop3A_344 : i32 to index
        %parallel_loop3A_346 = arith.index_cast %parallel_loop3A_259 : i32 to index
        %parallel_loop3A_347 = arith.constant 96 : index
        %parallel_loop3A_348 = tpu.vector_load %arg12[%parallel_loop3A_345, %parallel_loop3A_346, %parallel_loop3A_347] {strides = array<i32>} : memref<2x128x128xf32, #tpu.memory_space<vmem>>, vector<16xf32>,
        %parallel_loop3A_349 = arith.mulf %parallel_loop3A_348, %get3A_109 : vector<16xf32>
        %parallel_loop3A_350 = arith.constant 0 : i32
        %parallel_loop3A_351 = arith.index_cast %parallel_loop3A_350 : i32 to index
        %parallel_loop3A_352 = arith.index_cast %parallel_loop3A_259 : i32 to index
        %parallel_loop3A_353 = arith.constant 112 : index
        %parallel_loop3A_354 = tpu.vector_load %arg12[%parallel_loop3A_351, %parallel_loop3A_352, %parallel_loop3A_353] {strides = array<i32>} : memref<2x128x128xf32, #tpu.memory_space<vmem>>, vector<16xf32>,
        %parallel_loop3A_355 = arith.mulf %parallel_loop3A_354, %get3A_111 : vector<16xf32>
        %parallel_loop3A_356 = arith.addf %parallel_loop3A_265, %parallel_loop3A_271 : vector<16xf32>
        %parallel_loop3A_357 = arith.addf %parallel_loop3A_277, %parallel_loop3A_283 : vector<16xf32>
        %parallel_loop3A_358 = arith.addf %parallel_loop3A_289, %parallel_loop3A_295 : vector<16xf32>
        %parallel_loop3A_359 = arith.addf %parallel_loop3A_301, %parallel_loop3A_307 : vector<16xf32>
        %parallel_loop3A_360 = arith.addf %parallel_loop3A_313, %parallel_loop3A_319 : vector<16xf32>
        %parallel_loop3A_361 = arith.addf %parallel_loop3A_325, %parallel_loop3A_331 : vector<16xf32>
        %parallel_loop3A_362 = arith.addf %parallel_loop3A_337, %parallel_loop3A_343 : vector<16xf32>
        %parallel_loop3A_363 = arith.addf %parallel_loop3A_349, %parallel_loop3A_355 : vector<16xf32>
        %parallel_loop3A_364 = arith.addf %parallel_loop3A_356, %parallel_loop3A_357 : vector<16xf32>
        %parallel_loop3A_365 = arith.addf %parallel_loop3A_358, %parallel_loop3A_359 : vector<16xf32>
        %parallel_loop3A_366 = arith.addf %parallel_loop3A_360, %parallel_loop3A_361 : vector<16xf32>
        %parallel_loop3A_367 = arith.addf %parallel_loop3A_362, %parallel_loop3A_363 : vector<16xf32>
        %parallel_loop3A_368 = arith.addf %parallel_loop3A_364, %parallel_loop3A_365 : vector<16xf32>
        %parallel_loop3A_369 = arith.addf %parallel_loop3A_366, %parallel_loop3A_367 : vector<16xf32>
        %parallel_loop3A_370 = arith.addf %parallel_loop3A_368, %parallel_loop3A_369 : vector<16xf32>
        %parallel_loop3A_371 = arith.constant 0 : i32
        %parallel_loop3A_372 = vector.broadcast %parallel_loop3A_371 : i32 to vector<16xi32>
        %parallel_loop3A_373 = arith.cmpi slt, %xor3A_125, %parallel_loop3A_372 : vector<16xi32>
        %parallel_loop3A_374 = arith.constant 16 : i32
        %parallel_loop3A_375 = vector.broadcast %parallel_loop3A_374 : i32 to vector<16xi32>
        %parallel_loop3A_376 = arith.addi %xor3A_125, %parallel_loop3A_375 : vector<16xi32>
        %parallel_loop3A_377 = arith.select %parallel_loop3A_373, %parallel_loop3A_376, %xor3A_125 : vector<16xi1>, vector<16xi32>
        %parallel_loop3A_378 = vector.shape_cast %parallel_loop3A_377 : vector<16xi32> to vector<16x1xi32>
        %parallel_loop3A_379 = vector.shape_cast %parallel_loop3A_378 : vector<16x1xi32> to vector<16xi32>
        %parallel_loop3A_380 = tpu.dynamic_gather %parallel_loop3A_370[%parallel_loop3A_379] in [0] : vector<16xf32>, vector<16xi32> -> vector<16xf32>
        %parallel_loop3A_381 = arith.addf %parallel_loop3A_370, %parallel_loop3A_380 : vector<16xf32>
        %parallel_loop3A_382 = arith.constant 0 : i32
        %parallel_loop3A_383 = vector.broadcast %parallel_loop3A_382 : i32 to vector<16xi32>
        %parallel_loop3A_384 = arith.cmpi slt, %xor3A_128, %parallel_loop3A_383 : vector<16xi32>
        %parallel_loop3A_385 = arith.constant 16 : i32
        %parallel_loop3A_386 = vector.broadcast %parallel_loop3A_385 : i32 to vector<16xi32>
        %parallel_loop3A_387 = arith.addi %xor3A_128, %parallel_loop3A_386 : vector<16xi32>
        %parallel_loop3A_388 = arith.select %parallel_loop3A_384, %parallel_loop3A_387, %xor3A_128 : vector<16xi1>, vector<16xi32>
        %parallel_loop3A_389 = vector.shape_cast %parallel_loop3A_388 : vector<16xi32> to vector<16x1xi32>
        %parallel_loop3A_390 = vector.shape_cast %parallel_loop3A_389 : vector<16x1xi32> to vector<16xi32>
        %parallel_loop3A_391 = tpu.dynamic_gather %parallel_loop3A_381[%parallel_loop3A_390] in [0] : vector<16xf32>, vector<16xi32> -> vector<16xf32>
        %parallel_loop3A_392 = arith.addf %parallel_loop3A_381, %parallel_loop3A_391 : vector<16xf32>
        %parallel_loop3A_393 = arith.constant 0 : i32
        %parallel_loop3A_394 = vector.broadcast %parallel_loop3A_393 : i32 to vector<16xi32>
        %parallel_loop3A_395 = arith.cmpi slt, %xor3A_131, %parallel_loop3A_394 : vector<16xi32>
        %parallel_loop3A_396 = arith.constant 16 : i32
        %parallel_loop3A_397 = vector.broadcast %parallel_loop3A_396 : i32 to vector<16xi32>
        %parallel_loop3A_398 = arith.addi %xor3A_131, %parallel_loop3A_397 : vector<16xi32>
        %parallel_loop3A_399 = arith.select %parallel_loop3A_395, %parallel_loop3A_398, %xor3A_131 : vector<16xi1>, vector<16xi32>
        %parallel_loop3A_400 = vector.shape_cast %parallel_loop3A_399 : vector<16xi32> to vector<16x1xi32>
        %parallel_loop3A_401 = vector.shape_cast %parallel_loop3A_400 : vector<16x1xi32> to vector<16xi32>
        %parallel_loop3A_402 = tpu.dynamic_gather %parallel_loop3A_392[%parallel_loop3A_401] in [0] : vector<16xf32>, vector<16xi32> -> vector<16xf32>
        %parallel_loop3A_403 = arith.addf %parallel_loop3A_392, %parallel_loop3A_402 : vector<16xf32>
        %parallel_loop3A_404 = arith.constant 0 : i32
        %parallel_loop3A_405 = vector.broadcast %parallel_loop3A_404 : i32 to vector<16xi32>
        %parallel_loop3A_406 = arith.cmpi slt, %xor3A_134, %parallel_loop3A_405 : vector<16xi32>
        %parallel_loop3A_407 = arith.constant 16 : i32
        %parallel_loop3A_408 = vector.broadcast %parallel_loop3A_407 : i32 to vector<16xi32>
        %parallel_loop3A_409 = arith.addi %xor3A_134, %parallel_loop3A_408 : vector<16xi32>
        %parallel_loop3A_410 = arith.select %parallel_loop3A_406, %parallel_loop3A_409, %xor3A_134 : vector<16xi1>, vector<16xi32>
        %parallel_loop3A_411 = vector.shape_cast %parallel_loop3A_410 : vector<16xi32> to vector<16x1xi32>
        %parallel_loop3A_412 = vector.shape_cast %parallel_loop3A_411 : vector<16x1xi32> to vector<16xi32>
        %parallel_loop3A_413 = tpu.dynamic_gather %parallel_loop3A_403[%parallel_loop3A_412] in [0] : vector<16xf32>, vector<16xi32> -> vector<16xf32>
        %parallel_loop3A_414 = arith.addf %parallel_loop3A_403, %parallel_loop3A_413 : vector<16xf32>
        %parallel_loop3A_415 = arith.constant 128 : i32
        %parallel_loop3A_416 = arith.muli %mul3A_151, %parallel_loop3A_415 : i32
        %parallel_loop3A_417 = arith.addi %parallel_loop3A_416, %parallel_loop3A_259 : i32
        %parallel_loop3A_418 = vector.broadcast %parallel_loop3A_417 : i32 to vector<16xi32>
        tpu.vector_store_idx %arg15[%parallel_loop3A_418], %parallel_loop3A_414 masked %eq3A_123 : memref<512xf32, #tpu.memory_space<vmem>>[vector<16xi32>], vector<16xf32>, vector<16xi1>
      } {sc.loop_unroll_factor = 1 : i64, sc.parallel_access}
      %parallel_loop3A_200 = arith.constant 0 : i32
      %parallel_loop3A_201 = arith.constant 128 : i32
      %parallel_loop3A_202 = arith.constant 16 : i32
      scf.for %parallel_loop3A_259 = %parallel_loop3A_200 to %parallel_loop3A_201 step %parallel_loop3A_202  : i32 {
        %parallel_loop3A_260 = arith.constant 128 : i32
        %parallel_loop3A_261 = arith.muli %mul3A_151, %parallel_loop3A_260 : i32
        %parallel_loop3A_262 = arith.addi %parallel_loop3A_261, %parallel_loop3A_259 : i32
        %parallel_loop3A_263 = arith.index_cast %parallel_loop3A_262 : i32 to index
        %parallel_loop3A_264 = tpu.vector_load %arg15[%parallel_loop3A_263] {strides = array<i32>} : memref<512xf32, #tpu.memory_space<vmem>>, vector<16xf32>,
        %parallel_loop3A_265 = arith.addf %parallel_loop3A_264, %gather3A_121 : vector<16xf32>
        %parallel_loop3A_266 = arith.constant 0.000000e+00 : f32
        %parallel_loop3A_267 = vector.broadcast %parallel_loop3A_266 : f32 to vector<16xf32>
        %parallel_loop3A_268 = arith.subf %parallel_loop3A_267, %parallel_loop3A_265 : vector<16xf32>
        %parallel_loop3A_269 = math.exp %parallel_loop3A_268 : vector<16xf32>
        %parallel_loop3A_270 = arith.constant 1.000000e+00 : f32
        %parallel_loop3A_271 = vector.broadcast %parallel_loop3A_270 : f32 to vector<16xf32>
        %parallel_loop3A_272 = arith.addf %parallel_loop3A_271, %parallel_loop3A_269 : vector<16xf32>
        %parallel_loop3A_273 = arith.constant 1.000000e+00 : f32
        %parallel_loop3A_274 = vector.broadcast %parallel_loop3A_273 : f32 to vector<16xf32>
        %parallel_loop3A_275 = arith.divf %parallel_loop3A_274, %parallel_loop3A_272 : vector<16xf32>
        %parallel_loop3A_276 = arith.constant 128 : i32
        %parallel_loop3A_277 = arith.muli %mul3A_151, %parallel_loop3A_276 : i32
        %parallel_loop3A_278 = arith.addi %parallel_loop3A_277, %parallel_loop3A_259 : i32
        %parallel_loop3A_279 = arith.index_cast %parallel_loop3A_278 : i32 to index
        %parallel_loop3A_280 = tpu.vector_load %arg15[%parallel_loop3A_279] {strides = array<i32>} : memref<512xf32, #tpu.memory_space<vmem>>, vector<16xf32>,
        tpu.vector_store %arg15[%parallel_loop3A_279], %parallel_loop3A_275 {strides = array<i32>} : memref<512xf32, #tpu.memory_space<vmem>>, vector<16xf32>,
      } {sc.loop_unroll_factor = 2 : i64, sc.parallel_access}
      %mul3A_203 = arith.constant 128 : i32
      %mul3A_204 = arith.muli %mul3A_151, %mul3A_203 : i32
      %mul3A_205 = arith.constant 128 : i32
      %mul3A_206 = arith.muli %mul3A_151, %mul3A_205 : i32
      %add3A_207 = arith.addi %mul3A_2, %mul3A_206 : i32
      %dma_start3A_208 = tpu.memref_slice %arg15[%mul3A_204] : memref<512xf32, #tpu.memory_space<vmem>> -> memref<128xf32, #tpu.memory_space<vmem>>
      %dma_start3A_209 = tpu.memref_slice %arg8[%add3A_207] : memref<16384xf32, #tpu.memory_space<hbm>> -> memref<128xf32, #tpu.memory_space<hbm>>
      %dma_start3A_210 = tpu.memref_slice %arg8[%add3A_207] : memref<16384xf32, #tpu.memory_space<hbm>> -> memref<128xf32, #tpu.memory_space<hbm>>
      %dma_start3A_211 = tpu.memref_slice %arg15[%mul3A_204] : memref<512xf32, #tpu.memory_space<vmem>> -> memref<128xf32, #tpu.memory_space<vmem>>
      tpu.enqueue_dma source(%dma_start3A_211 : memref<128xf32, #tpu.memory_space<vmem>>) target(%dma_start3A_210 : memref<128xf32, #tpu.memory_space<hbm>>) target_semaphore(%arg19 : memref<!tpu.dma_semaphore, #tpu.memory_space<semaphore_mem>>)
      %add3A_212 = arith.constant 1 : i32
      %add3A_213 = arith.addi %scan3A_148, %add3A_212 : i32
      %lt3A_214 = arith.constant 2 : i32
      %lt3A_215 = arith.cmpi slt, %add3A_213, %lt3A_214 : i32
      %convert_element_type3A = arith.extui %lt3A_215 : i1 to i32
      %cond3A = arith.constant 0 : i32
      %cond3A_216 = arith.cmpi ne, %convert_element_type3A, %cond3A : i32
      scf.if %cond3A_216 {
        %add3A_259 = arith.constant 2 : i32
        %add3A_260 = arith.addi %mul3A_151, %add3A_259 : i32
        %mul3A_261 = arith.constant 128 : i32
        %mul3A_262 = arith.muli %add3A_260, %mul3A_261 : i32
        %dma_start3A_263 = arith.constant 0 : i32
        %dma_start3A_264 = arith.constant 0 : i32
        %dma_start3A_265 = arith.constant 0 : i32
        %dma_start3A_266 = tpu.memref_slice %arg11[%dma_start3A_263, %dma_start3A_264, %dma_start3A_265] : memref<2x128x128xf32, #tpu.memory_space<vmem>> -> memref<1x128x128xf32, #tpu.memory_space<vmem>>
        %dma_start3A_267 = tpu.memref_squeeze %dma_start3A_266 : memref<1x128x128xf32, #tpu.memory_space<vmem>> -> memref<128x128xf32, #tpu.memory_space<vmem>>
        %dma_start3A_268 = tpu.memref_slice %arg9[%mul3A_262] : memref<512xi32, #tpu.memory_space<vmem>> -> memref<128xi32, #tpu.memory_space<vmem>>
        %dma_start3A_269 = arith.constant 0 : i32
        %dma_start3A_270 = arith.constant 0 : i32
        %dma_start3A_271 = tpu.memref_slice %arg4[%dma_start3A_269, %dma_start3A_270] : memref<1000000x128xf32, #tpu.memory_space<hbm>> -> memref<1000000x128xf32, #tpu.memory_space<hbm>>
        tpu.enqueue_indirect_dma source(%dma_start3A_271 : memref<1000000x128xf32, #tpu.memory_space<hbm>>) target(%dma_start3A_267 : memref<128x128xf32, #tpu.memory_space<vmem>>) offsets(%dma_start3A_268 : memref<128xi32, #tpu.memory_space<vmem>>) semaphore(%arg16 : memref<!tpu.dma_semaphore, #tpu.memory_space<semaphore_mem>>)
        %mul3A_272 = arith.constant 128 : i32
        %mul3A_273 = arith.muli %add3A_260, %mul3A_272 : i32
        %dma_start3A_274 = arith.constant 0 : i32
        %dma_start3A_275 = arith.constant 0 : i32
        %dma_start3A_276 = arith.constant 0 : i32
        %dma_start3A_277 = tpu.memref_slice %arg12[%dma_start3A_274, %dma_start3A_275, %dma_start3A_276] : memref<2x128x128xf32, #tpu.memory_space<vmem>> -> memref<1x128x128xf32, #tpu.memory_space<vmem>>
        %dma_start3A_278 = tpu.memref_squeeze %dma_start3A_277 : memref<1x128x128xf32, #tpu.memory_space<vmem>> -> memref<128x128xf32, #tpu.memory_space<vmem>>
        %dma_start3A_279 = tpu.memref_slice %arg10[%mul3A_273] : memref<512xi32, #tpu.memory_space<vmem>> -> memref<128xi32, #tpu.memory_space<vmem>>
        %dma_start3A_280 = arith.constant 0 : i32
        %dma_start3A_281 = arith.constant 0 : i32
        %dma_start3A_282 = tpu.memref_slice %arg5[%dma_start3A_280, %dma_start3A_281] : memref<100000x128xf32, #tpu.memory_space<hbm>> -> memref<100000x128xf32, #tpu.memory_space<hbm>>
        tpu.enqueue_indirect_dma source(%dma_start3A_282 : memref<100000x128xf32, #tpu.memory_space<hbm>>) target(%dma_start3A_278 : memref<128x128xf32, #tpu.memory_space<vmem>>) offsets(%dma_start3A_279 : memref<128xi32, #tpu.memory_space<vmem>>) semaphore(%arg17 : memref<!tpu.dma_semaphore, #tpu.memory_space<semaphore_mem>>)
      } else {
      }
      %add3A_217 = arith.constant 1 : i32
      %add3A_218 = arith.addi %mul3A_151, %add3A_217 : i32
      %mul3A_219 = arith.constant 128 : i32
      %mul3A_220 = arith.muli %add3A_218, %mul3A_219 : i32
      %dma_wait3A_221 = arith.constant 1 : i32
      %dma_wait3A_222 = arith.constant 0 : i32
      %dma_wait3A_223 = arith.constant 0 : i32
      %dma_wait3A_224 = tpu.memref_slice %arg11[%dma_wait3A_221, %dma_wait3A_222, %dma_wait3A_223] : memref<2x128x128xf32, #tpu.memory_space<vmem>> -> memref<1x128x128xf32, #tpu.memory_space<vmem>>
      %dma_wait3A_225 = tpu.memref_squeeze %dma_wait3A_224 : memref<1x128x128xf32, #tpu.memory_space<vmem>> -> memref<128x128xf32, #tpu.memory_space<vmem>>
      %dma_wait3A_226 = tpu.memref_slice %arg9[%mul3A_220] : memref<512xi32, #tpu.memory_space<vmem>> -> memref<128xi32, #tpu.memory_space<vmem>>
      %dma_wait3A_227 = arith.constant 0 : i32
      %dma_wait3A_228 = arith.constant 0 : i32
      %dma_wait3A_229 = tpu.memref_slice %arg4[%dma_wait3A_227, %dma_wait3A_228] : memref<1000000x128xf32, #tpu.memory_space<hbm>> -> memref<1000000x128xf32, #tpu.memory_space<hbm>>
      tpu.wait_indirect_dma semaphore(%arg16 : memref<!tpu.dma_semaphore, #tpu.memory_space<semaphore_mem>>) src(%dma_wait3A_229 : memref<1000000x128xf32, #tpu.memory_space<hbm>>) dst(%dma_wait3A_225 : memref<128x128xf32, #tpu.memory_space<vmem>>)
      %mul3A_230 = arith.constant 128 : i32
      %mul3A_231 = arith.muli %add3A_218, %mul3A_230 : i32
      %dma_wait3A_232 = arith.constant 1 : i32
      %dma_wait3A_233 = arith.constant 0 : i32
      %dma_wait3A_234 = arith.constant 0 : i32
      %dma_wait3A_235 = tpu.memref_slice %arg12[%dma_wait3A_232, %dma_wait3A_233, %dma_wait3A_234] : memref<2x128x128xf32, #tpu.memory_space<vmem>> -> memref<1x128x128xf32, #tpu.memory_space<vmem>>
      %dma_wait3A_236 = tpu.memref_squeeze %dma_wait3A_235 : memref<1x128x128xf32, #tpu.memory_space<vmem>> -> memref<128x128xf32, #tpu.memory_space<vmem>>
      %dma_wait3A_237 = tpu.memref_slice %arg10[%mul3A_231] : memref<512xi32, #tpu.memory_space<vmem>> -> memref<128xi32, #tpu.memory_space<vmem>>
      %dma_wait3A_238 = arith.constant 0 : i32
      %dma_wait3A_239 = arith.constant 0 : i32
      %dma_wait3A_240 = tpu.memref_slice %arg5[%dma_wait3A_238, %dma_wait3A_239] : memref<100000x128xf32, #tpu.memory_space<hbm>> -> memref<100000x128xf32, #tpu.memory_space<hbm>>
      tpu.wait_indirect_dma semaphore(%arg17 : memref<!tpu.dma_semaphore, #tpu.memory_space<semaphore_mem>>) src(%dma_wait3A_240 : memref<100000x128xf32, #tpu.memory_space<hbm>>) dst(%dma_wait3A_236 : memref<128x128xf32, #tpu.memory_space<vmem>>)
      %add3A_241 = arith.constant 1 : i32
      %add3A_242 = arith.addi %mul3A_151, %add3A_241 : i32
      %parallel_loop3A_243 = arith.constant 0 : i32
      %parallel_loop3A_244 = arith.constant 128 : i32
      %parallel_loop3A_245 = arith.constant 1 : i32
      scf.for %parallel_loop3A_259 = %parallel_loop3A_243 to %parallel_loop3A_244 step %parallel_loop3A_245  : i32 {
        %parallel_loop3A_260 = arith.constant 1 : i32
        %parallel_loop3A_261 = arith.index_cast %parallel_loop3A_260 : i32 to index
        %parallel_loop3A_262 = arith.index_cast %parallel_loop3A_259 : i32 to index
        %parallel_loop3A_263 = arith.constant 0 : index
        %parallel_loop3A_264 = tpu.vector_load %arg11[%parallel_loop3A_261, %parallel_loop3A_262, %parallel_loop3A_263] {strides = array<i32>} : memref<2x128x128xf32, #tpu.memory_space<vmem>>, vector<16xf32>,
        %parallel_loop3A_265 = arith.mulf %parallel_loop3A_264, %get3A_81 : vector<16xf32>
        %parallel_loop3A_266 = arith.constant 1 : i32
        %parallel_loop3A_267 = arith.index_cast %parallel_loop3A_266 : i32 to index
        %parallel_loop3A_268 = arith.index_cast %parallel_loop3A_259 : i32 to index
        %parallel_loop3A_269 = arith.constant 16 : index
        %parallel_loop3A_270 = tpu.vector_load %arg11[%parallel_loop3A_267, %parallel_loop3A_268, %parallel_loop3A_269] {strides = array<i32>} : memref<2x128x128xf32, #tpu.memory_space<vmem>>, vector<16xf32>,
        %parallel_loop3A_271 = arith.mulf %parallel_loop3A_270, %get3A_83 : vector<16xf32>
        %parallel_loop3A_272 = arith.constant 1 : i32
        %parallel_loop3A_273 = arith.index_cast %parallel_loop3A_272 : i32 to index
        %parallel_loop3A_274 = arith.index_cast %parallel_loop3A_259 : i32 to index
        %parallel_loop3A_275 = arith.constant 32 : index
        %parallel_loop3A_276 = tpu.vector_load %arg11[%parallel_loop3A_273, %parallel_loop3A_274, %parallel_loop3A_275] {strides = array<i32>} : memref<2x128x128xf32, #tpu.memory_space<vmem>>, vector<16xf32>,
        %parallel_loop3A_277 = arith.mulf %parallel_loop3A_276, %get3A_85 : vector<16xf32>
        %parallel_loop3A_278 = arith.constant 1 : i32
        %parallel_loop3A_279 = arith.index_cast %parallel_loop3A_278 : i32 to index
        %parallel_loop3A_280 = arith.index_cast %parallel_loop3A_259 : i32 to index
        %parallel_loop3A_281 = arith.constant 48 : index
        %parallel_loop3A_282 = tpu.vector_load %arg11[%parallel_loop3A_279, %parallel_loop3A_280, %parallel_loop3A_281] {strides = array<i32>} : memref<2x128x128xf32, #tpu.memory_space<vmem>>, vector<16xf32>,
        %parallel_loop3A_283 = arith.mulf %parallel_loop3A_282, %get3A_87 : vector<16xf32>
        %parallel_loop3A_284 = arith.constant 1 : i32
        %parallel_loop3A_285 = arith.index_cast %parallel_loop3A_284 : i32 to index
        %parallel_loop3A_286 = arith.index_cast %parallel_loop3A_259 : i32 to index
        %parallel_loop3A_287 = arith.constant 64 : index
        %parallel_loop3A_288 = tpu.vector_load %arg11[%parallel_loop3A_285, %parallel_loop3A_286, %parallel_loop3A_287] {strides = array<i32>} : memref<2x128x128xf32, #tpu.memory_space<vmem>>, vector<16xf32>,
        %parallel_loop3A_289 = arith.mulf %parallel_loop3A_288, %get3A_89 : vector<16xf32>
        %parallel_loop3A_290 = arith.constant 1 : i32
        %parallel_loop3A_291 = arith.index_cast %parallel_loop3A_290 : i32 to index
        %parallel_loop3A_292 = arith.index_cast %parallel_loop3A_259 : i32 to index
        %parallel_loop3A_293 = arith.constant 80 : index
        %parallel_loop3A_294 = tpu.vector_load %arg11[%parallel_loop3A_291, %parallel_loop3A_292, %parallel_loop3A_293] {strides = array<i32>} : memref<2x128x128xf32, #tpu.memory_space<vmem>>, vector<16xf32>,
        %parallel_loop3A_295 = arith.mulf %parallel_loop3A_294, %get3A_91 : vector<16xf32>
        %parallel_loop3A_296 = arith.constant 1 : i32
        %parallel_loop3A_297 = arith.index_cast %parallel_loop3A_296 : i32 to index
        %parallel_loop3A_298 = arith.index_cast %parallel_loop3A_259 : i32 to index
        %parallel_loop3A_299 = arith.constant 96 : index
        %parallel_loop3A_300 = tpu.vector_load %arg11[%parallel_loop3A_297, %parallel_loop3A_298, %parallel_loop3A_299] {strides = array<i32>} : memref<2x128x128xf32, #tpu.memory_space<vmem>>, vector<16xf32>,
        %parallel_loop3A_301 = arith.mulf %parallel_loop3A_300, %get3A_93 : vector<16xf32>
        %parallel_loop3A_302 = arith.constant 1 : i32
        %parallel_loop3A_303 = arith.index_cast %parallel_loop3A_302 : i32 to index
        %parallel_loop3A_304 = arith.index_cast %parallel_loop3A_259 : i32 to index
        %parallel_loop3A_305 = arith.constant 112 : index
        %parallel_loop3A_306 = tpu.vector_load %arg11[%parallel_loop3A_303, %parallel_loop3A_304, %parallel_loop3A_305] {strides = array<i32>} : memref<2x128x128xf32, #tpu.memory_space<vmem>>, vector<16xf32>,
        %parallel_loop3A_307 = arith.mulf %parallel_loop3A_306, %get3A_95 : vector<16xf32>
        %parallel_loop3A_308 = arith.constant 1 : i32
        %parallel_loop3A_309 = arith.index_cast %parallel_loop3A_308 : i32 to index
        %parallel_loop3A_310 = arith.index_cast %parallel_loop3A_259 : i32 to index
        %parallel_loop3A_311 = arith.constant 0 : index
        %parallel_loop3A_312 = tpu.vector_load %arg12[%parallel_loop3A_309, %parallel_loop3A_310, %parallel_loop3A_311] {strides = array<i32>} : memref<2x128x128xf32, #tpu.memory_space<vmem>>, vector<16xf32>,
        %parallel_loop3A_313 = arith.mulf %parallel_loop3A_312, %get3A_97 : vector<16xf32>
        %parallel_loop3A_314 = arith.constant 1 : i32
        %parallel_loop3A_315 = arith.index_cast %parallel_loop3A_314 : i32 to index
        %parallel_loop3A_316 = arith.index_cast %parallel_loop3A_259 : i32 to index
        %parallel_loop3A_317 = arith.constant 16 : index
        %parallel_loop3A_318 = tpu.vector_load %arg12[%parallel_loop3A_315, %parallel_loop3A_316, %parallel_loop3A_317] {strides = array<i32>} : memref<2x128x128xf32, #tpu.memory_space<vmem>>, vector<16xf32>,
        %parallel_loop3A_319 = arith.mulf %parallel_loop3A_318, %get3A_99 : vector<16xf32>
        %parallel_loop3A_320 = arith.constant 1 : i32
        %parallel_loop3A_321 = arith.index_cast %parallel_loop3A_320 : i32 to index
        %parallel_loop3A_322 = arith.index_cast %parallel_loop3A_259 : i32 to index
        %parallel_loop3A_323 = arith.constant 32 : index
        %parallel_loop3A_324 = tpu.vector_load %arg12[%parallel_loop3A_321, %parallel_loop3A_322, %parallel_loop3A_323] {strides = array<i32>} : memref<2x128x128xf32, #tpu.memory_space<vmem>>, vector<16xf32>,
        %parallel_loop3A_325 = arith.mulf %parallel_loop3A_324, %get3A_101 : vector<16xf32>
        %parallel_loop3A_326 = arith.constant 1 : i32
        %parallel_loop3A_327 = arith.index_cast %parallel_loop3A_326 : i32 to index
        %parallel_loop3A_328 = arith.index_cast %parallel_loop3A_259 : i32 to index
        %parallel_loop3A_329 = arith.constant 48 : index
        %parallel_loop3A_330 = tpu.vector_load %arg12[%parallel_loop3A_327, %parallel_loop3A_328, %parallel_loop3A_329] {strides = array<i32>} : memref<2x128x128xf32, #tpu.memory_space<vmem>>, vector<16xf32>,
        %parallel_loop3A_331 = arith.mulf %parallel_loop3A_330, %get3A_103 : vector<16xf32>
        %parallel_loop3A_332 = arith.constant 1 : i32
        %parallel_loop3A_333 = arith.index_cast %parallel_loop3A_332 : i32 to index
        %parallel_loop3A_334 = arith.index_cast %parallel_loop3A_259 : i32 to index
        %parallel_loop3A_335 = arith.constant 64 : index
        %parallel_loop3A_336 = tpu.vector_load %arg12[%parallel_loop3A_333, %parallel_loop3A_334, %parallel_loop3A_335] {strides = array<i32>} : memref<2x128x128xf32, #tpu.memory_space<vmem>>, vector<16xf32>,
        %parallel_loop3A_337 = arith.mulf %parallel_loop3A_336, %get3A_105 : vector<16xf32>
        %parallel_loop3A_338 = arith.constant 1 : i32
        %parallel_loop3A_339 = arith.index_cast %parallel_loop3A_338 : i32 to index
        %parallel_loop3A_340 = arith.index_cast %parallel_loop3A_259 : i32 to index
        %parallel_loop3A_341 = arith.constant 80 : index
        %parallel_loop3A_342 = tpu.vector_load %arg12[%parallel_loop3A_339, %parallel_loop3A_340, %parallel_loop3A_341] {strides = array<i32>} : memref<2x128x128xf32, #tpu.memory_space<vmem>>, vector<16xf32>,
        %parallel_loop3A_343 = arith.mulf %parallel_loop3A_342, %get3A_107 : vector<16xf32>
        %parallel_loop3A_344 = arith.constant 1 : i32
        %parallel_loop3A_345 = arith.index_cast %parallel_loop3A_344 : i32 to index
        %parallel_loop3A_346 = arith.index_cast %parallel_loop3A_259 : i32 to index
        %parallel_loop3A_347 = arith.constant 96 : index
        %parallel_loop3A_348 = tpu.vector_load %arg12[%parallel_loop3A_345, %parallel_loop3A_346, %parallel_loop3A_347] {strides = array<i32>} : memref<2x128x128xf32, #tpu.memory_space<vmem>>, vector<16xf32>,
        %parallel_loop3A_349 = arith.mulf %parallel_loop3A_348, %get3A_109 : vector<16xf32>
        %parallel_loop3A_350 = arith.constant 1 : i32
        %parallel_loop3A_351 = arith.index_cast %parallel_loop3A_350 : i32 to index
        %parallel_loop3A_352 = arith.index_cast %parallel_loop3A_259 : i32 to index
        %parallel_loop3A_353 = arith.constant 112 : index
        %parallel_loop3A_354 = tpu.vector_load %arg12[%parallel_loop3A_351, %parallel_loop3A_352, %parallel_loop3A_353] {strides = array<i32>} : memref<2x128x128xf32, #tpu.memory_space<vmem>>, vector<16xf32>,
        %parallel_loop3A_355 = arith.mulf %parallel_loop3A_354, %get3A_111 : vector<16xf32>
        %parallel_loop3A_356 = arith.addf %parallel_loop3A_265, %parallel_loop3A_271 : vector<16xf32>
        %parallel_loop3A_357 = arith.addf %parallel_loop3A_277, %parallel_loop3A_283 : vector<16xf32>
        %parallel_loop3A_358 = arith.addf %parallel_loop3A_289, %parallel_loop3A_295 : vector<16xf32>
        %parallel_loop3A_359 = arith.addf %parallel_loop3A_301, %parallel_loop3A_307 : vector<16xf32>
        %parallel_loop3A_360 = arith.addf %parallel_loop3A_313, %parallel_loop3A_319 : vector<16xf32>
        %parallel_loop3A_361 = arith.addf %parallel_loop3A_325, %parallel_loop3A_331 : vector<16xf32>
        %parallel_loop3A_362 = arith.addf %parallel_loop3A_337, %parallel_loop3A_343 : vector<16xf32>
        %parallel_loop3A_363 = arith.addf %parallel_loop3A_349, %parallel_loop3A_355 : vector<16xf32>
        %parallel_loop3A_364 = arith.addf %parallel_loop3A_356, %parallel_loop3A_357 : vector<16xf32>
        %parallel_loop3A_365 = arith.addf %parallel_loop3A_358, %parallel_loop3A_359 : vector<16xf32>
        %parallel_loop3A_366 = arith.addf %parallel_loop3A_360, %parallel_loop3A_361 : vector<16xf32>
        %parallel_loop3A_367 = arith.addf %parallel_loop3A_362, %parallel_loop3A_363 : vector<16xf32>
        %parallel_loop3A_368 = arith.addf %parallel_loop3A_364, %parallel_loop3A_365 : vector<16xf32>
        %parallel_loop3A_369 = arith.addf %parallel_loop3A_366, %parallel_loop3A_367 : vector<16xf32>
        %parallel_loop3A_370 = arith.addf %parallel_loop3A_368, %parallel_loop3A_369 : vector<16xf32>
        %parallel_loop3A_371 = arith.constant 0 : i32
        %parallel_loop3A_372 = vector.broadcast %parallel_loop3A_371 : i32 to vector<16xi32>
        %parallel_loop3A_373 = arith.cmpi slt, %xor3A_125, %parallel_loop3A_372 : vector<16xi32>
        %parallel_loop3A_374 = arith.constant 16 : i32
        %parallel_loop3A_375 = vector.broadcast %parallel_loop3A_374 : i32 to vector<16xi32>
        %parallel_loop3A_376 = arith.addi %xor3A_125, %parallel_loop3A_375 : vector<16xi32>
        %parallel_loop3A_377 = arith.select %parallel_loop3A_373, %parallel_loop3A_376, %xor3A_125 : vector<16xi1>, vector<16xi32>
        %parallel_loop3A_378 = vector.shape_cast %parallel_loop3A_377 : vector<16xi32> to vector<16x1xi32>
        %parallel_loop3A_379 = vector.shape_cast %parallel_loop3A_378 : vector<16x1xi32> to vector<16xi32>
        %parallel_loop3A_380 = tpu.dynamic_gather %parallel_loop3A_370[%parallel_loop3A_379] in [0] : vector<16xf32>, vector<16xi32> -> vector<16xf32>
        %parallel_loop3A_381 = arith.addf %parallel_loop3A_370, %parallel_loop3A_380 : vector<16xf32>
        %parallel_loop3A_382 = arith.constant 0 : i32
        %parallel_loop3A_383 = vector.broadcast %parallel_loop3A_382 : i32 to vector<16xi32>
        %parallel_loop3A_384 = arith.cmpi slt, %xor3A_128, %parallel_loop3A_383 : vector<16xi32>
        %parallel_loop3A_385 = arith.constant 16 : i32
        %parallel_loop3A_386 = vector.broadcast %parallel_loop3A_385 : i32 to vector<16xi32>
        %parallel_loop3A_387 = arith.addi %xor3A_128, %parallel_loop3A_386 : vector<16xi32>
        %parallel_loop3A_388 = arith.select %parallel_loop3A_384, %parallel_loop3A_387, %xor3A_128 : vector<16xi1>, vector<16xi32>
        %parallel_loop3A_389 = vector.shape_cast %parallel_loop3A_388 : vector<16xi32> to vector<16x1xi32>
        %parallel_loop3A_390 = vector.shape_cast %parallel_loop3A_389 : vector<16x1xi32> to vector<16xi32>
        %parallel_loop3A_391 = tpu.dynamic_gather %parallel_loop3A_381[%parallel_loop3A_390] in [0] : vector<16xf32>, vector<16xi32> -> vector<16xf32>
        %parallel_loop3A_392 = arith.addf %parallel_loop3A_381, %parallel_loop3A_391 : vector<16xf32>
        %parallel_loop3A_393 = arith.constant 0 : i32
        %parallel_loop3A_394 = vector.broadcast %parallel_loop3A_393 : i32 to vector<16xi32>
        %parallel_loop3A_395 = arith.cmpi slt, %xor3A_131, %parallel_loop3A_394 : vector<16xi32>
        %parallel_loop3A_396 = arith.constant 16 : i32
        %parallel_loop3A_397 = vector.broadcast %parallel_loop3A_396 : i32 to vector<16xi32>
        %parallel_loop3A_398 = arith.addi %xor3A_131, %parallel_loop3A_397 : vector<16xi32>
        %parallel_loop3A_399 = arith.select %parallel_loop3A_395, %parallel_loop3A_398, %xor3A_131 : vector<16xi1>, vector<16xi32>
        %parallel_loop3A_400 = vector.shape_cast %parallel_loop3A_399 : vector<16xi32> to vector<16x1xi32>
        %parallel_loop3A_401 = vector.shape_cast %parallel_loop3A_400 : vector<16x1xi32> to vector<16xi32>
        %parallel_loop3A_402 = tpu.dynamic_gather %parallel_loop3A_392[%parallel_loop3A_401] in [0] : vector<16xf32>, vector<16xi32> -> vector<16xf32>
        %parallel_loop3A_403 = arith.addf %parallel_loop3A_392, %parallel_loop3A_402 : vector<16xf32>
        %parallel_loop3A_404 = arith.constant 0 : i32
        %parallel_loop3A_405 = vector.broadcast %parallel_loop3A_404 : i32 to vector<16xi32>
        %parallel_loop3A_406 = arith.cmpi slt, %xor3A_134, %parallel_loop3A_405 : vector<16xi32>
        %parallel_loop3A_407 = arith.constant 16 : i32
        %parallel_loop3A_408 = vector.broadcast %parallel_loop3A_407 : i32 to vector<16xi32>
        %parallel_loop3A_409 = arith.addi %xor3A_134, %parallel_loop3A_408 : vector<16xi32>
        %parallel_loop3A_410 = arith.select %parallel_loop3A_406, %parallel_loop3A_409, %xor3A_134 : vector<16xi1>, vector<16xi32>
        %parallel_loop3A_411 = vector.shape_cast %parallel_loop3A_410 : vector<16xi32> to vector<16x1xi32>
        %parallel_loop3A_412 = vector.shape_cast %parallel_loop3A_411 : vector<16x1xi32> to vector<16xi32>
        %parallel_loop3A_413 = tpu.dynamic_gather %parallel_loop3A_403[%parallel_loop3A_412] in [0] : vector<16xf32>, vector<16xi32> -> vector<16xf32>
        %parallel_loop3A_414 = arith.addf %parallel_loop3A_403, %parallel_loop3A_413 : vector<16xf32>
        %parallel_loop3A_415 = arith.constant 128 : i32
        %parallel_loop3A_416 = arith.muli %add3A_242, %parallel_loop3A_415 : i32
        %parallel_loop3A_417 = arith.addi %parallel_loop3A_416, %parallel_loop3A_259 : i32
        %parallel_loop3A_418 = vector.broadcast %parallel_loop3A_417 : i32 to vector<16xi32>
        tpu.vector_store_idx %arg15[%parallel_loop3A_418], %parallel_loop3A_414 masked %eq3A_123 : memref<512xf32, #tpu.memory_space<vmem>>[vector<16xi32>], vector<16xf32>, vector<16xi1>
      } {sc.loop_unroll_factor = 1 : i64, sc.parallel_access}
      %parallel_loop3A_246 = arith.constant 0 : i32
      %parallel_loop3A_247 = arith.constant 128 : i32
      %parallel_loop3A_248 = arith.constant 16 : i32
      scf.for %parallel_loop3A_259 = %parallel_loop3A_246 to %parallel_loop3A_247 step %parallel_loop3A_248  : i32 {
        %parallel_loop3A_260 = arith.constant 128 : i32
        %parallel_loop3A_261 = arith.muli %add3A_242, %parallel_loop3A_260 : i32
        %parallel_loop3A_262 = arith.addi %parallel_loop3A_261, %parallel_loop3A_259 : i32
        %parallel_loop3A_263 = arith.index_cast %parallel_loop3A_262 : i32 to index
        %parallel_loop3A_264 = tpu.vector_load %arg15[%parallel_loop3A_263] {strides = array<i32>} : memref<512xf32, #tpu.memory_space<vmem>>, vector<16xf32>,
        %parallel_loop3A_265 = arith.addf %parallel_loop3A_264, %gather3A_121 : vector<16xf32>
        %parallel_loop3A_266 = arith.constant 0.000000e+00 : f32
        %parallel_loop3A_267 = vector.broadcast %parallel_loop3A_266 : f32 to vector<16xf32>
        %parallel_loop3A_268 = arith.subf %parallel_loop3A_267, %parallel_loop3A_265 : vector<16xf32>
        %parallel_loop3A_269 = math.exp %parallel_loop3A_268 : vector<16xf32>
        %parallel_loop3A_270 = arith.constant 1.000000e+00 : f32
        %parallel_loop3A_271 = vector.broadcast %parallel_loop3A_270 : f32 to vector<16xf32>
        %parallel_loop3A_272 = arith.addf %parallel_loop3A_271, %parallel_loop3A_269 : vector<16xf32>
        %parallel_loop3A_273 = arith.constant 1.000000e+00 : f32
        %parallel_loop3A_274 = vector.broadcast %parallel_loop3A_273 : f32 to vector<16xf32>
        %parallel_loop3A_275 = arith.divf %parallel_loop3A_274, %parallel_loop3A_272 : vector<16xf32>
        %parallel_loop3A_276 = arith.constant 128 : i32
        %parallel_loop3A_277 = arith.muli %add3A_242, %parallel_loop3A_276 : i32
        %parallel_loop3A_278 = arith.addi %parallel_loop3A_277, %parallel_loop3A_259 : i32
        %parallel_loop3A_279 = arith.index_cast %parallel_loop3A_278 : i32 to index
        %parallel_loop3A_280 = tpu.vector_load %arg15[%parallel_loop3A_279] {strides = array<i32>} : memref<512xf32, #tpu.memory_space<vmem>>, vector<16xf32>,
        tpu.vector_store %arg15[%parallel_loop3A_279], %parallel_loop3A_275 {strides = array<i32>} : memref<512xf32, #tpu.memory_space<vmem>>, vector<16xf32>,
      } {sc.loop_unroll_factor = 2 : i64, sc.parallel_access}
      %mul3A_249 = arith.constant 128 : i32
      %mul3A_250 = arith.muli %add3A_242, %mul3A_249 : i32
      %mul3A_251 = arith.constant 128 : i32
      %mul3A_252 = arith.muli %add3A_242, %mul3A_251 : i32
      %add3A_253 = arith.addi %mul3A_2, %mul3A_252 : i32
      %dma_start3A_254 = tpu.memref_slice %arg15[%mul3A_250] : memref<512xf32, #tpu.memory_space<vmem>> -> memref<128xf32, #tpu.memory_space<vmem>>
      %dma_start3A_255 = tpu.memref_slice %arg8[%add3A_253] : memref<16384xf32, #tpu.memory_space<hbm>> -> memref<128xf32, #tpu.memory_space<hbm>>
      %dma_start3A_256 = tpu.memref_slice %arg8[%add3A_253] : memref<16384xf32, #tpu.memory_space<hbm>> -> memref<128xf32, #tpu.memory_space<hbm>>
      %dma_start3A_257 = tpu.memref_slice %arg15[%mul3A_250] : memref<512xf32, #tpu.memory_space<vmem>> -> memref<128xf32, #tpu.memory_space<vmem>>
      tpu.enqueue_dma source(%dma_start3A_257 : memref<128xf32, #tpu.memory_space<vmem>>) target(%dma_start3A_256 : memref<128xf32, #tpu.memory_space<hbm>>) target_semaphore(%arg19 : memref<!tpu.dma_semaphore, #tpu.memory_space<semaphore_mem>>)
      %scan3A_258 = arith.constant 0 : i32
      scf.yield %scan3A_258 : i32
    }
    %scan3A_140 = arith.constant 2 : i32
    %scan3A_141 = arith.constant 0 : i32
    %scan3A_142 = arith.constant 0 : i32
    %scan3A_143 = arith.constant 4 : i32
    %scan3A_144 = arith.addi %scan3A_142, %scan3A_143 : i32
    %scan3A_145 = arith.constant 1 : i32
    %scan3A_146 = scf.for %scan3A_148 = %scan3A_142 to %scan3A_144 step %scan3A_145 iter_args(%scan3A_149 = %scan3A_141) -> (i32)  : i32 {
      %mul3A_150 = arith.constant 128 : i32
      %mul3A_151 = arith.muli %scan3A_148, %mul3A_150 : i32
      %mul3A_152 = arith.constant 128 : i32
      %mul3A_153 = arith.muli %scan3A_148, %mul3A_152 : i32
      %add3A_154 = arith.addi %mul3A_2, %mul3A_153 : i32
      %dma_wait3A_155 = tpu.memref_slice %arg15[%mul3A_151] : memref<512xf32, #tpu.memory_space<vmem>> -> memref<128xf32, #tpu.memory_space<vmem>>
      %dma_wait3A_156 = tpu.memref_slice %arg8[%add3A_154] : memref<16384xf32, #tpu.memory_space<hbm>> -> memref<128xf32, #tpu.memory_space<hbm>>
      %dma_wait3A_157 = tpu.memref_slice %arg8[%add3A_154] : memref<16384xf32, #tpu.memory_space<hbm>> -> memref<128xf32, #tpu.memory_space<hbm>>
      %dma_wait3A_158 = tpu.memref_slice %arg15[%mul3A_151] : memref<512xf32, #tpu.memory_space<vmem>> -> memref<128xf32, #tpu.memory_space<vmem>>
      tpu.wait_dma2 semaphore(%arg19 : memref<!tpu.dma_semaphore, #tpu.memory_space<semaphore_mem>>) src(%dma_wait3A_158 : memref<128xf32, #tpu.memory_space<vmem>>) dst(%dma_wait3A_157 : memref<128xf32, #tpu.memory_space<hbm>>)
      %scan3A_159 = arith.constant 0 : i32
      scf.yield %scan3A_159 : i32
    }
    %scan3A_147 = arith.constant 4 : i32
    return
  }
}

</mosaic_0001>

<sc_bundles>
// kernel: kernel.3.cloned.1.call-start
scs
__scs_entry_jumppad:
0x0: {  	(pc) =	sbr.rel $0x88, $3  }
0x1: {  	(tag) =	ssettag $0x0;
	lr =	simm.s32 $0x1  }
0x2: {  	[smem:$0x3F9B] =	sst lr;
	_ =	strace $0xD0000000  }
0x3: {  	_ = 	snop  }
0x4: {  	_ = 	snop  }
0x5: {  	_ = 	snop  }
0x6: {  	_ = 	snop  }
0x7: {  	_ = 	snop  }
__scs_overlays_trampoline_lowered:
0x8: {  	[smem:$0x3FAA] =	sst s0  }
0x9: {  	[smem:$0x3FAB] =	sst s1  }
0xa: {  	[smem:$0x3FAC] =	sst s2  }
0xb: {  	[smem:$0x3FAD] =	sst s3  }
0xc: {  	[smem:$0x3FAE] =	sst s4  }
0xd: {  	[smem:$0x3FAF] =	sst s5  }
0xe: {  	[smem:$0x3FB0] =	sst s6  }
0xf: {  	[smem:$0x3FB1] =	sst s7  }
0x10: {  	[smem:$0x3FB2] =	sst s8  }
0x11: {  	[smem:$0x3FB3] =	sst s9;
	s0 =	simm.s32 @!p0 $0x0  }
0x12: {  	s1 =	sld [smem:$0x3F99];
	s0 =	simm.s32 @p0 $0x1  }
0x13: {  	[smem:$0x3FB4] =	sst s0;
	s0 =	simm.s32 @!p1 $0x0  }
0x14: {  	s2 =	sld [smem:$0x3F98];
	s0 =	simm.s32 @p1 $0x1  }
0x15: {  	[smem:$0x3FB5] =	sst s0;
	s0 =	simm.s32 @!p2 $0x0  }
0x16: {  	s3 =	sld [smem:$0x3FDB];
	s0 =	simm.s32 @p2 $0x1  }
0x17: {  	s4 =	simm.s32 $0x1BF5;
	[smem:$0x3FB7] =	sst s0  }
0x18: {  	s0 =	sld [smem:$0x3F9A];
	_ =	swait.ge [sflag:s4], $0x0  }
0x19: {  	s7 =	sld [smem:$0x3F9B]  }
0x1a: {  	s8 =	sadd.s32 $0xFFFFE003, lr  }
0x1b: {  	s9 =	sadd.s32 $0xFFFFFEF7, lr;
	s5 =	simm.s32 $0xFFFFFFFF;
	p2 =	slt.u32 s8, $0xFFFFF086  }
0x1c: {  	p1 =	slt.u32 s9, $0xF7A;
	s5 =	simm.s32 @!p2 $0x0  }
0x1d: {  	s5 =	simm.s32 @p1 $0x1;
	p0 =	seq.s32 s7, s2  }
0x1e: {  	s7 =	smul.u32 @!p0 $0xF7A, s2;
	p2 =	seq.s32 @!p0 s5, $0x0  }
0x1f: {  	s9 =	smul.u32 $0xF7A, s1;
	s8 =	simm.s32 @!p0 $0x1BF5;
	p2 =	por !p2, p0  }
0x20: {  	[sflag:s8] =	ssyncset.s32 @!p0 $0xFFFFF086;
	s6 =	sadd.s32 @!p0 s3, s7;
	s7 =	simm.s32 @!p0 $0x108  }
0x21: {  	s3 =	sadd.s32 s3, s9;
	s6 =	sadd.s32 @!p0 $0x88, s6;
	s7 =	simm.s32 @p2 $0x1082  }
0x22: {  	[simem:s7], [sflag:s8] =	dma.local @!p0 [hbm:s6], $0xF7A  }
0x23: {  	s9 =	sor.u32 $0xD0000000, s2;
	s6 =	simm.s32 $0x108;
	_ =	swait.ge @!p0 [sflag:s8], $0x0  }
0x24: {  	s3 =	sadd.s32 $0x88, s3;
	s6 =	simm.s32 @!p1 $0x1082;
	[sflag:s4] =	ssyncset.s32 $0xFFFFF086  }
0x25: {  	[simem:s6], [sflag:s4] =	dma.local [hbm:s3], $0xF7A  }
0x26: {  	[smem:$0x3F9B] =	sst s1;
	(tag) =	ssettag s2;
	_ =	strace s9  }
0x27: {  	s1 =	sld [smem:$0x3FAB]  }
0x28: {  	s2 =	sld [smem:$0x3FAC]  }
0x29: {  	s4 =	sld [smem:$0x3FAE]  }
0x2a: {  	p0 =	seq.s32 s5, $0x0;
	s5 =	sld [smem:$0x3FAF]  }
0x2b: {  	s6 =	sld [smem:$0x3FB0]  }
0x2c: {  	s7 =	sld [smem:$0x3FB1]  }
0x2d: {  	s3 =	simm.s32 $0x108;
	s8 =	sld [smem:$0x3FB2]  }
0x2e: {  	s3 =	simm.s32 @!p0 $0x1082;
	s9 =	sld [smem:$0x3FB3]  }
0x2f: {  	lr =	sadd.s32 s0, s3;
	s0 =	sld [smem:$0x3FAA]  }
0x30: {  	s3 =	sld [smem:$0x3FAD]  }
0x31: {  	[smem:$0x3FB6] =	sst s10  }
0x32: {  	s10 =	sld [smem:$0x3FB4];
	_ =	sdelay $0x3  }
0x33: {  	p0 =	seq.s32 s10, $0x1;
	s10 =	sld [smem:$0x3FB6];
	_ =	sdelay $0x3  }
0x34: {  	[smem:$0x3FB6] =	sst s10  }
0x35: {  	s10 =	sld [smem:$0x3FB5];
	_ =	sdelay $0x3  }
0x36: {  	p1 =	seq.s32 s10, $0x1;
	s10 =	sld [smem:$0x3FB6];
	_ =	sdelay $0x3  }
0x37: {  	[smem:$0x3FB6] =	sst s10  }
0x38: {  	s10 =	sld [smem:$0x3FB7]  }
0x39: {  	_ = 	snop;
	(pc) =	sbr.ind lr, $3  }
0x3a: {  	_ = 	snop  }
0x3b: {  	_ = 	snop  }
0x3c: {  	p2 =	seq.s32 s10, $0x1;
	s10 =	sld [smem:$0x3FB6]  }
0x3d: {  	_ =	shalt  }
0x3e: {  	_ =	shalt  }
0x3f: {  	_ =	shalt  }
0x40: {  	_ =	shalt  }
0x41: {  	_ =	shalt  }
0x42: {  	_ =	shalt  }
0x43: {  	_ =	shalt  }
0x44: {  	_ =	shalt  }
0x45: {  	_ =	shalt  }
0x46: {  	_ =	shalt  }
0x47: {  	_ =	shalt  }
0x48: {  	_ =	shalt  }
0x49: {  	_ =	shalt  }
0x4a: {  	_ =	shalt  }
0x4b: {  	_ =	shalt  }
0x4c: {  	_ =	shalt  }
0x4d: {  	_ =	shalt  }
0x4e: {  	_ =	shalt  }
0x4f: {  	_ =	shalt  }
0x50: {  	_ =	shalt  }
0x51: {  	_ =	shalt  }
0x52: {  	_ =	shalt  }
0x53: {  	_ =	shalt  }
0x54: {  	_ =	shalt  }
0x55: {  	_ =	shalt  }
0x56: {  	_ =	shalt  }
0x57: {  	_ =	shalt  }
0x58: {  	_ =	shalt  }
0x59: {  	_ =	shalt  }
0x5a: {  	_ =	shalt  }
0x5b: {  	_ =	shalt  }
0x5c: {  	_ =	shalt  }
0x5d: {  	_ =	shalt  }
0x5e: {  	_ =	shalt  }
0x5f: {  	_ =	shalt  }
0x60: {  	_ =	shalt  }
0x61: {  	_ =	shalt  }
0x62: {  	_ =	shalt  }
0x63: {  	_ =	shalt  }
0x64: {  	_ =	shalt  }
0x65: {  	_ =	shalt  }
0x66: {  	_ =	shalt  }
0x67: {  	_ =	shalt  }
0x68: {  	_ =	shalt  }
0x69: {  	_ =	shalt  }
0x6a: {  	_ =	shalt  }
0x6b: {  	_ =	shalt  }
0x6c: {  	_ =	shalt  }
0x6d: {  	_ =	shalt  }
0x6e: {  	_ =	shalt  }
0x6f: {  	_ =	shalt  }
0x70: {  	_ =	shalt  }
0x71: {  	_ =	shalt  }
0x72: {  	_ =	shalt  }
0x73: {  	_ =	shalt  }
0x74: {  	_ =	shalt  }
0x75: {  	_ =	shalt  }
0x76: {  	_ =	shalt  }
0x77: {  	_ =	shalt  }
0x78: {  	_ =	shalt  }
0x79: {  	_ =	shalt  }
0x7a: {  	_ =	shalt  }
0x7b: {  	_ =	shalt  }
0x7c: {  	_ =	shalt  }
0x7d: {  	_ =	shalt  }
0x7e: {  	_ =	shalt  }
0x7f: {  	_ =	shalt  }
0x80: {  	_ =	shalt  }
0x81: {  	_ =	shalt  }
0x82: {  	_ =	shalt  }
0x83: {  	_ =	shalt  }
0x84: {  	_ =	shalt  }
0x85: {  	_ =	shalt  }
0x86: {  	_ =	shalt  }
0x87: {  	_ =	shalt  }
.Lfunc_end0:
.L_simem_size_0:
called_computation_lowered:
.L_overlay_start_0:
0x88: {  	s2 =	sld [smem:$0x3FD9]  }
0x89: {  	s3 =	sld [smem:$0x3FFE];
	_ =	sdelay $0x1  }
0x8a: {  	s1 =	srdreg.scid  }
0x8b: {  	s0 =	sand.u32 $0x1, s1  }
0x8c: {  	s18 =	sshll.u32 s0, $0xA;
	s2 =	sadd.s32 s3, s2  }
0x8d: {  	s2 =	sadd.s32 s2, s18  }
0x8e: {  	[smem:$0x3FC2] =	sst s2  }
0x8f: {  	_ = 	snop  }
0x90: {  	s2 =	sld [smem:$0x3FC9]  }
0x91: {  	s19 =	sld [smem:$0x3FC8]  }
0x92: {  	s4 =	sld [smem:$0x3FC7]  }
0x93: {  	s5 =	sld [smem:$0x3FC6]  }
0x94: {  	s6 =	sld [smem:$0x3FC5]  }
0x95: {  	s7 =	sld [smem:$0x3FC4]  }
0x96: {  	s8 =	sld [smem:$0x3FD0];
	(tm) =	ssettm $0x1  }
0x97: {  	s9 =	sld [smem:$0x3FFB];
	_ =	sdelay $0x3  }
0x98: {  	_ =	strace s9  }
0x99: {  	s9 =	sld [smem:$0x3FFC];
	_ =	sdelay $0x3  }
0x9a: {  	_ =	strace s9  }
0x9b: {  	s9 =	sld [smem:$0x3FFD];
	_ =	sdelay $0x3  }
0x9c: {  	_ =	strace s9  }
0x9d: {  	_ =	strace $0x8FFFFFFF  }
0x9e: {  	s20 =	sld [smem:$0x3FDB];
	_ =	sdelay $0x1  }
0x9f: {  	s10 =	simm.s32 $_scs_section_size  }
0xa0: {  	s11 =	simm.s32 $_size__tile_overlayer_lowered;
	s12 =	simm.s32 $_tile_overlayer_lowered  }
0xa1: {  	s23 =	simm.s32 $0x1BFF;
	s22 =	sshll.u32 s12, $0x1;
	s9 =	sadd.s32 s10, s20  }
0xa2: {  	s13 =	simm.s32 $0x0;
	s21 =	sshll.u32 s11, $0x1;
	s11 =	sadd.s32 s22, s9  }
0xa3: {  	[timem:s13], [sflag:s23] =	dma.local [hbm:s11], s21  }
0xa4: {  	_ =	swait.ge [sflag:s23], s21  }
0xa5: {  	s10 =	ssub.s32 $0x0, s21;
	[sflag:s23] =	ssyncset.done $0x0  }
0xa6: {  	[sflag:s23] =	ssyncadd.s32 s10;
	_ =	sdelay $0x1  }
0xa7: {  	s24 =	simm.s32 $0x1B8B  }
0xa8: {  	_ =	swait.ge [sflag:s24], $0x1  }
0xa9: {  	[sflag:s24] =	ssyncset.done $0x0  }
0xaa: {  	s25 =	simm.s32 $0x1B8E;
	[sflag:s24] =	ssyncadd.s32 $0xFFFFFFFF  }
0xab: {  	s26 =	simm.s32 $execute0_lowered;
	[smem:$0x3FD2] =	sst s25  }
0xac: {  	s10 =	sshll.u32 s26, $0x1;
	_ =	strace $0x80000046;
	[dreg:$0x1] =	wrdreg $0xFFFFFFFF  }
0xad: {  	s28 =	simm.s32 $_size_execute0_lowered;
	s9 =	sadd.s32 s9, s10;
	[dreg:$0x0] =	wrdreg $0x0  }
0xae: {  	s10 =	sshll.u32 s28, $0x1;
	[dreg:$0x2] =	wrdreg s9  }
0xaf: {  	[dreg:$0x3] =	wrdreg s10  }
0xb0: {  	[dreg:$0x4] =	wrdreg $0xC0  }
0xb1: {  	_ =	task [dreg:s13], $0x5FFFF  }
0xb2: {  	[dreg:$0x1] =	wrdreg $0xFFFFFFFF  }
0xb3: {  	[dreg:$0x0] =	wrdreg $0x60  }
0xb4: {  	[dreg:$0x2] =	wrdreg s2  }
0xb5: {  	[dreg:$0x3] =	wrdreg s19  }
0xb6: {  	[dreg:$0x4] =	wrdreg s4  }
0xb7: {  	[dreg:$0x5] =	wrdreg s5  }
0xb8: {  	[dreg:$0x6] =	wrdreg s6  }
0xb9: {  	[dreg:$0x7] =	wrdreg s7  }
0xba: {  	[dreg:$0x8] =	wrdreg s8  }
0xbb: {  	[dreg:$0x9] =	wrdreg $0x9  }
0xbc: {  	_ =	task.clear_ibuf [dreg:s13], $0xAFFFF;
	_ =	strace $0x90000046  }
0xbd: {  	s29 =	simm.s32 $0x9;
	_ =	strace $0x80000048  }
0xbe: {  	_ =	swait.ge [sflag:s29], $0x1  }
0xbf: {  	[sflag:s29] =	ssyncadd.s32 $0xFFFFFFFF  }
0xc0: {  	_ =	strace $0x90000048  }
0xc1: {  	_ =	sfence  }
0xc2: {  	s30 =	sld [smem:$0x0];
	_ =	sdelay $0x2  }
0xc3: {  	s31 =	sshll.u32 s1, $0xD;
	s1 =	sshrl.u32 s1, $0x2  }
0xc4: {  	s3 =	sand.u32 $0x4000, s31;
	s1 =	sadd.s32 s1, s30  }
0xc5: {  	s0 =	sor.u32 s3, s0;
	s1 =	sshll.u32 s1, $0x11  }
0xc6: {  	s0 =	sor.u32 s1, s0  }
0xc7: {  	s0 =	sadd.s32 $0x8F2B, s0  }
0xc8: {  	[sflag:s0] =	ssyncadd.remote.s32 $0x1  }
0xc9: {  	_ =	sfence.sel $0xFFFF  }
0xca: {  	[dreg:$0x0] =	wrdreg $0xFFFFFFFF;
	(pc) =	sbr.abs _section_cstart, $3  }
0xcb: {  	[dreg:$0x1] =	wrdreg $0xFFFFFFFF  }
0xcc: {  	_ =	task.clear_ibuf [dreg:s13], $0x2FFFF;
	_ =	strace $0x9FFFFFFF  }
0xcd: {  	(tm) =	ssettm $0x7FFFFFFF  }
tec
execute0_lowered:
.L_overlay_start_1:
0x0: {  	(tag) =	ssettag $0x1  }
0x1: {  	s2 =	rddreg [dreg:$0x0]  }
0x2: {  	s3 =	rddreg [dreg:$0x1]  }
0x3: {  	s0 =	rddreg [dreg:$0x2]  }
0x4: {  	s1 =	rddreg [dreg:$0x3];
	s4 =	srdreg.scid  }
0x5: {  	s6 =	rddreg [dreg:$0x6];
	s5 =	stileid.u32;
	v0 =	vimm.s32 $0xEFCDAB89  }
0x6: {  	v1 =	vimm.s32 $0x67452301;
	s7 =	simm.s32 $0x0;
	v2 =	vimm.s32 $0xDCFE98BA;
	s14 =	simm.s32 $0x200;
	s18 =	simm.s32 $0x10500  }
0x7: {  	v3 =	vimm.s32 $0x54761032;
	v4 =	vimm.s32 $0xBA98FEDC;
	v5 =	vimm.s32 $0xFEDCBA98;
	s19 =	simm.s32 $0x1;
	s20 =	simm.s32 $0x2;
	s21 =	simm.s32 $0x80  }
0x8: {  	v6 =	vimm.s32 $0x32107654;
	v7 =	vimm.s32 $0x76543210;
	s22 =	simm.s32 $0x400;
	s23 =	simm.s32 $0x8400;
	s24 =	simm.s32 $0x3;
	v0 =	vunpack.c.l.s4.s8 v0  }
0x9: {  	s25 =	simm.s32 $0x4400;
	s28 =	simm.s32 $0x10580;
	s29 =	simm.s32 $0x4;
	v1 =	vunpack.c.l.s4.s8 v1;
	v2 =	vunpack.c.l.s4.s8 v2;
	v3 =	vunpack.c.l.s4.s8 v3  }
0xa: {  	s30 =	simm.s32 $0x0;
	s4 =	sand.u32 $0x1, s4;
	s5 =	sshll.u32 s5, $0xA;
	v5 =	vunpack.c.l.s4.s8 v5;
	v4 =	vunpack.c.l.s4.s8 v4;
	v6 =	vunpack.c.l.s4.s8 v6  }
0xb: {  	[smem:$0x7FF] =	sst s7;
	v7 =	vunpack.c.l.s4.s8 v7;
	s8 =	sshll.u32 s4, $0x9;
	s4 =	ssub.s32 $0x2, s4;
	v0 =	vunpack.c.0.s8.s32 v0;
	v1 =	vunpack.c.0.s8.s32 v1  }
0xc: {  	_ =	strace $0x80000047;
	s8 =	sor.u32 s8, s5;
	s26 =	sshrl.u32 s4, $0x1;
	v2 =	vunpack.c.0.s8.s32 v2;
	v3 =	vunpack.c.0.s8.s32 v3;
	v5 =	vunpack.c.0.s8.s32 v5  }
0xd: {  	v4 =	vunpack.c.0.s8.s32 v4;
	v6 =	vunpack.c.0.s8.s32 v6;
	v7 =	vunpack.c.0.s8.s32 v7;
	s10 =	sshrl.u32 s8, $0x3;
	s4 =	ssub.s32 s4, s26;
	s26 =	simm.s32 $0xC400  }
0xe: {  	s31 =	sor.u32 $0x20, s10;
	s9 =	sadd.s32 s2, s10;
	s10 =	sadd.s32 s3, s10;
	v0 =	vcombine.low v1, v0;
	v1 =	vcombine.low v3, v2;
	v5 =	vand.u32 $0xF, v5  }
0xf: {  	s13 =	smax.u32 s4, $0x1;
	v2 =	vcombine.low v6, v4;
	v3 =	vimm.s32 $0x0;
	s11 =	sadd.s32 s2, s31;
	s12 =	sadd.s32 s3, s31;
	v4 =	vcombine.low v5, v7  }
.LBB2_1:
0x10: {  	[tilespmem:s7], [sflag:$0x1] =	stream.linear.gather [hbm4b:s9+s7], $0x100, $0x38;
	[tilespmem:$0x10780] =	vst v63  }
0x11: {  	_ = 	snop  }
0x12: {  	[tilespmem:s14], [sflag:$0x2] =	stream.linear.gather [hbm4b:s10+s7], $0x100, $0x38;
	[tilespmem:$0x10780] =	vst v63  }
0x13: {  	s2 =	simm.s32 $0x100  }
0x14: {  	[tilespmem:s2], [sflag:$0x3] =	stream.linear.gather [hbm4b:s11+s7], $0x100, $0x38;
	[tilespmem:$0x10780] =	vst v63  }
0x15: {  	s16 =	simm.s32 $0x300  }
0x16: {  	[tilespmem:s16], [sflag:$0x3] =	stream.linear.gather [hbm4b:s12+s7], $0x100, $0x38;
	[tilespmem:$0x10780] =	vst v63  }
0x17: {  	s17 =	rddreg [dreg:$0x4];
	s3 =	simm.s32 $0x10400  }
0x18: {  	[tilespmem:s3], [sflag:$0x3] =	stream.linear.gather [hbm4b:s17+s7], $0x100, $0x38;
	[tilespmem:$0x10780] =	vst v63  }
0x19: {  	s31 =	rddreg [dreg:$0x5]  }
0x1a: {  	[tilespmem:s18], [sflag:$0x3] =	stream.linear.gather [hbm4b:s31+s7], $0x1, $0x38;
	[tilespmem:$0x10780] =	vst v63  }
0x1b: {  	_ =	swait.ge [sflag:s19], $0x100  }
0x1c: {  	[sflag:s19] =	ssyncset.done $0x0  }
0x1d: {  	[sflag:s19] =	ssyncadd.s32 $0xFFFFFF00  }
0x1e: {  	_ =	swait.ge [sflag:s20], $0x100  }
0x1f: {  	[sflag:s20] =	ssyncset.done $0x0  }
0x20: {  	[sflag:s20] =	ssyncadd.s32 $0xFFFFFF00  }
0x21: {  	[tilespmem:s22], [sflag:$0x1] =	stream.indirect.gather [hbm4b:s0+s21], $0x80, s7, s21, $0xb8;
	[tilespmem:$0x10780] =	vst v63  }
0x22: {  	_ = 	snop  }
0x23: {  	[tilespmem:s23], [sflag:$0x2] =	stream.indirect.gather [hbm4b:s1+s21], $0x80, s14, s21, $0xb8;
	[tilespmem:$0x10780] =	vst v63  }
0x24: {  	_ =	swait.ge [sflag:s24], $0x100  }
0x25: {  	[sflag:s24] =	ssyncset.done $0x0  }
0x26: {  	[sflag:s24] =	ssyncadd.s32 $0xFFFFFF00  }
0x27: {  	_ =	swait.ge [sflag:s24], $0x100  }
0x28: {  	[sflag:s24] =	ssyncset.done $0x0  }
0x29: {  	[sflag:s24] =	ssyncadd.s32 $0xFFFFFF00  }
0x2a: {  	_ =	swait.ge [sflag:s24], $0x100  }
0x2b: {  	[sflag:s24] =	ssyncset.done $0x0  }
0x2c: {  	[sflag:s24] =	ssyncadd.s32 $0xFFFFFF00  }
0x2d: {  	_ =	swait.ge [sflag:s24], $0x1  }
0x2e: {  	[sflag:s24] =	ssyncset.done $0x0  }
0x2f: {  	[sflag:s24] =	ssyncadd.s32 $0xFFFFFFFF  }
0x30: {  	v5 =	vld [tilespmem:$0x10400]  }
0x31: {  	v6 =	vld [tilespmem:$0x10410]  }
0x32: {  	v7 =	vld [tilespmem:$0x10420]  }
0x33: {  	v8 =	vld [tilespmem:$0x10430]  }
0x34: {  	v9 =	vld [tilespmem:$0x10440]  }
0x35: {  	v10 =	vld [tilespmem:$0x10450]  }
0x36: {  	v11 =	vld [tilespmem:$0x10460]  }
0x37: {  	v12 =	vld [tilespmem:$0x10470]  }
0x38: {  	v13 =	vld [tilespmem:$0x10480]  }
0x39: {  	v14 =	vld [tilespmem:$0x10490]  }
0x3a: {  	v15 =	vld [tilespmem:$0x104A0]  }
0x3b: {  	v21 =	vld [tilespmem:$0x10500]  }
0x3c: {  	v16 =	vld [tilespmem:$0x104B0]  }
0x3d: {  	v17 =	vld [tilespmem:$0x104C0]  }
0x3e: {  	v18 =	vld [tilespmem:$0x104D0]  }
0x3f: {  	v19 =	vld [tilespmem:$0x104E0]  }
0x40: {  	p1 =	por $0x1, $0x1;
	s4 =	simm.s32 $0x0;
	v20 =	vld [tilespmem:$0x104F0];
	v21 =	vperm.xlane v21, v3  }
.LBB2_2:
0x41: {  	s31 =	sor.u32 $0x80, s4  }
0x42: {  	[tilespmem:s25], [sflag:$0x1] =	stream.indirect.gather [hbm4b:s0+s21], $0x80, s31, s21, $0xb8;
	[tilespmem:$0x10780] =	vst v63  }
0x43: {  	s2 =	sadd.s32 $0x280, s4  }
0x44: {  	[tilespmem:s26], [sflag:$0x2] =	stream.indirect.gather [hbm4b:s1+s21], $0x80, s2, s21, $0xb8;
	[tilespmem:$0x10780] =	vst v63  }
0x45: {  	_ =	swait.ge [sflag:s19], $0x4000  }
0x46: {  	[sflag:s19] =	ssyncset.done $0x0  }
0x47: {  	[sflag:s19] =	ssyncadd.s32 $0xFFFFC000  }
0x48: {  	_ =	swait.ge [sflag:s20], $0x4000  }
0x49: {  	[sflag:s20] =	ssyncset.done $0x0  }
0x4a: {  	s17 =	simm.s32 $0x0;
	[sflag:s20] =	ssyncadd.s32 $0xFFFFC000  }
0x4b: {  	v22 =	vld [tilespmem:s17+$0x8470]  }
0x4c: {  	v23 =	vld [tilespmem:s17+$0x8450]  }
0x4d: {  	v24 =	vld [tilespmem:s17+$0x8420]  }
0x4e: {  	v25 =	vld [tilespmem:s17+$0x8440]  }
0x4f: {  	v26 =	vld [tilespmem:s17+$0x8410]  }
0x50: {  	v27 =	vld [tilespmem:s17+$0x8460]  }
0x51: {  	v28 =	vld [tilespmem:s17+$0x8400]  }
0x52: {  	v29 =	vld [tilespmem:s17+$0x470]  }
0x53: {  	v30 =	vld [tilespmem:s17+$0x430]  }
0x54: {  	v31 =	vld [tilespmem:s17+$0x460]  }
0x55: {  	v32 =	vld [tilespmem:s17+$0x410]  }
0x56: {  	v33 =	vld [tilespmem:s17+$0x450]  }
0x57: {  	v34 =	vld [tilespmem:s17+$0x420]  }
0x58: {  	v35 =	vld [tilespmem:s17+$0x440]  }
0x59: {  	v36 =	vld [tilespmem:s17+$0x400]  }
0x5a: {  	s3 =	simm.s32 $0x80;
	v37 =	vld [tilespmem:s17+$0x8430]  }
0x5b: {  	v38 =	vld [tilespmem:s3+$0x8470]  }
0x5c: {  	v39 =	vld [tilespmem:s3+$0x8450]  }
0x5d: {  	v40 =	vld [tilespmem:s3+$0x8420];
	v27 =	vmul.f32 v27, v19;
	v29 =	vmul.f32 v29, v12  }
0x5e: {  	v46 =	vld [tilespmem:s3+$0x8440];
	v23 =	vmul.f32 v23, v18;
	v28 =	vmul.f32 v28, v13  }
0x5f: {  	v47 =	vld [tilespmem:s3+$0x8410];
	v22 =	vmul.f32 v22, v20;
	v31 =	vmul.f32 v31, v11  }
0x60: {  	v48 =	vld [tilespmem:s3+$0x8460];
	v26 =	vmul.f32 v26, v14;
	v24 =	vmul.f32 v24, v15  }
0x61: {  	v49 =	vld [tilespmem:s3+$0x8400];
	v45 =	vmul.f32 v34, v7;
	v30 =	vmul.f32 v30, v8  }
0x62: {  	v50 =	vld [tilespmem:s3+$0x440];
	v25 =	vmul.f32 v25, v17;
	v35 =	vmul.f32 v35, v9  }
0x63: {  	v51 =	vld [tilespmem:s3+$0x400];
	v37 =	vmul.f32 v37, v16;
	v22 =	vadd.f32 v22, v27;
	v27 =	vmul.f32 v32, v6  }
0x64: {  	s2 =	simm.s32 $0x100;
	v53 =	vld [tilespmem:s3+$0x8430];
	v29 =	vadd.f32 v29, v31;
	v26 =	vadd.f32 v26, v28;
	v28 =	vmul.f32 v36, v5  }
0x65: {  	v55 =	vld [tilespmem:s2+$0x8470];
	v31 =	vmul.f32 v33, v10;
	v30 =	vadd.f32 v30, v45;
	v23 =	vadd.f32 v23, v25  }
0x66: {  	v25 =	vld [tilespmem:s3+$0x470];
	v24 =	vadd.f32 v37, v24;
	v27 =	vadd.f32 v27, v28  }
0x67: {  	v28 =	vadd.f32 v31, v35;
	v22 =	vadd.f32 v22, v23;
	v23 =	vld [tilespmem:s3+$0x460]  }
0x68: {  	v52 =	vmul.f32 v40, v15;
	v56 =	vmul.f32 v51, v5;
	v24 =	vadd.f32 v24, v26;
	v26 =	vld [tilespmem:s3+$0x410]  }
0x69: {  	v34 =	vmul.f32 v46, v17;
	v31 =	vld [tilespmem:s3+$0x430];
	v27 =	vadd.f32 v30, v27;
	v28 =	vadd.f32 v29, v28  }
0x6a: {  	v57 =	vmul.f32 v53, v16;
	v32 =	vmul.f32 v49, v13;
	v22 =	vadd.f32 v22, v24;
	v24 =	vld [tilespmem:s3+$0x420]  }
0x6b: {  	v35 =	vmul.f32 v50, v9;
	v29 =	vmul.f32 v48, v19;
	v30 =	vld [tilespmem:s3+$0x450];
	v27 =	vadd.f32 v28, v27  }
0x6c: {  	v41 =	vld [tilespmem:s2+$0x8450];
	v25 =	vmul.f32 v25, v12;
	v28 =	vmul.f32 v39, v18  }
0x6d: {  	v42 =	vld [tilespmem:s2+$0x8410];
	v23 =	vmul.f32 v23, v11;
	v26 =	vmul.f32 v26, v6;
	v27 =	vadd.f32 v22, v27  }
0x6e: {  	v58 =	vld [tilespmem:s2+$0x8400];
	v59 =	vadd.f32 v57, v52;
	v31 =	vmul.f32 v31, v8;
	v22 =	vmul.f32 v38, v20  }
0x6f: {  	v60 =	vld [tilespmem:s2+$0x470];
	v28 =	vadd.f32 v28, v34;
	v24 =	vmul.f32 v24, v7;
	v54 =	vperm.xlane v27, v0  }
0x70: {  	v61 =	vld [tilespmem:s2+$0x460];
	v30 =	vmul.f32 v30, v10;
	v25 =	vadd.f32 v25, v23;
	v26 =	vadd.f32 v26, v56  }
0x71: {  	v33 =	vmul.f32 v47, v14;
	v36 =	vld [tilespmem:s2+$0x400];
	v29 =	vadd.f32 v22, v29;
	v27 =	vadd.f32 v27, v54  }
0x72: {  	v37 =	vmul.f32 v42, v14;
	v23 =	vld [tilespmem:s2+$0x8420];
	v24 =	vadd.f32 v31, v24;
	v30 =	vadd.f32 v30, v35  }
0x73: {  	v32 =	vadd.f32 v33, v32;
	v31 =	vld [tilespmem:s2+$0x8460];
	v28 =	vadd.f32 v29, v28;
	v29 =	vperm.xlane v27, v1  }
0x74: {  	v39 =	vmul.f32 v55, v20;
	v22 =	vld [tilespmem:s2+$0x8440];
	v24 =	vadd.f32 v24, v26;
	v25 =	vadd.f32 v25, v30  }
0x75: {  	v34 =	vmul.f32 v60, v12;
	v26 =	vld [tilespmem:s2+$0x430];
	v30 =	vadd.f32 v59, v32;
	v62 =	vadd.f32 v27, v29  }
0x76: {  	v38 =	vmul.f32 v61, v11;
	v35 =	vmul.f32 v58, v13;
	v32 =	vld [tilespmem:s2+$0x420]  }
0x77: {  	v24 =	vadd.f32 v25, v24;
	v25 =	vadd.f32 v28, v30;
	v29 =	vld [tilespmem:s2+$0x410];
	v63 =	vperm.xlane v62, v2  }
0x78: {  	v30 =	vld [tilespmem:s2+$0x450];
	v33 =	vmul.f32 v31, v19;
	v27 =	vmul.f32 v41, v18  }
0x79: {  	p0 =	por p1, p1;
	s15 =	simm.s32 $0x600;
	s3 =	smov.u32 s4;
	v31 =	vld [tilespmem:s2+$0x440];
	v28 =	vadd.f32 v25, v24;
	v24 =	vmov s4;
	v25 =	vadd.f32 v62, v63  }
.LBB2_3:
0x7a: {  	s5 =	smov.u32 s15  }
0x7b: {  	v40 =	vmul.f32 v23, v15;
	v41 =	vld [tilespmem:s2+$0x8430];
	s2 =	sshra.s32 s15, $0x2;
	v33 =	vadd.f32 v39, v33;
	v39 =	vperm.xlane v28, v0;
	s3 =	sadd.s32 $0x1, s3;
	s5 =	sadd.s32 $0x200, s15  }
0x7c: {  	p1 =	seq.s32 s15, $0xFE00;
	v29 =	vmul.f32 v29, v6;
	v34 =	vadd.f32 v34, v38;
	v38 =	vperm.xlane v25, v4;
	v42 =	vld [tilespmem:s2+$0x8470]  }
0x7d: {  	v30 =	vmul.f32 v30, v10;
	v35 =	vadd.f32 v37, v35;
	v32 =	vmul.f32 v32, v7;
	v43 =	vld [tilespmem:s2+$0x8450]  }
0x7e: {  	v26 =	vmul.f32 v26, v8;
	v28 =	vadd.f32 v28, v39;
	v31 =	vmul.f32 v31, v9;
	v23 =	vld [tilespmem:s2+$0x8420]  }
0x7f: {  	v37 =	vmul.f32 v22, v17;
	v25 =	vadd.f32 v25, v38;
	v36 =	vmul.f32 v36, v5;
	v22 =	vld [tilespmem:s2+$0x8440]  }
0x80: {  	v26 =	vadd.f32 v26, v32;
	v38 =	vmul.f32 v41, v16;
	v30 =	vadd.f32 v30, v31;
	v44 =	vld [tilespmem:s2+$0x8410]  }
0x81: {  	v27 =	vadd.f32 v27, v37;
	v29 =	vadd.f32 v29, v36;
	v31 =	vld [tilespmem:s2+$0x8460];
	[tilespmem:v24+s28+$0x0] =	vst.idx.msk $0x1, v25  }
0x82: {  	v25 =	vadd.f32 v38, v40;
	v24 =	vld [tilespmem:s2+$0x8400]  }
0x83: {  	v27 =	vadd.f32 v33, v27;
	v32 =	vadd.f32 v26, v29;
	v29 =	vperm.xlane v28, v1;
	v36 =	vld [tilespmem:s2+$0x470]  }
0x84: {  	v30 =	vadd.f32 v34, v30;
	v25 =	vadd.f32 v25, v35;
	v26 =	vld [tilespmem:s2+$0x430]  }
0x85: {  	v38 =	vadd.f32 v28, v29;
	v37 =	vld [tilespmem:s2+$0x460]  }
.Ltmp0:
0x86: {  	v28 =	vadd.f32 v30, v32;
	v25 =	vadd.f32 v27, v25;
	v29 =	vld [tilespmem:s2+$0x410];
	v33 =	vmul.f32 v31, v19;
	(pc) =	sbr.rel @!p1 .LBB2_3-.Ltmp0, $4  }
0x87: {  	v40 =	vperm.xlane v38, v2;
	v30 =	vld [tilespmem:s2+$0x450]  }
0x88: {  	v27 =	vmul.f32 v43, v18;
	v28 =	vadd.f32 v25, v28;
	v32 =	vld [tilespmem:s2+$0x420];
	v34 =	vmul.f32 v36, v12  }
0x89: {  	v39 =	vmul.f32 v42, v20;
	v35 =	vmul.f32 v24, v13;
	v25 =	vadd.f32 v38, v40;
	v31 =	vld [tilespmem:s2+$0x440]  }
0x8a: {  	s15 =	smov.u32 s5;
	v24 =	vmov s3;
	v36 =	vld [tilespmem:s2+$0x400];
	v38 =	vmul.f32 v37, v11;
	v37 =	vmul.f32 v44, v14  }
0x8b: {  	v40 =	vld [tilespmem:s2+$0x8430]  }
0x8c: {  	v23 =	vmul.f32 v23, v15  }
0x8d: {  	v33 =	vadd.f32 v39, v33;
	v29 =	vmul.f32 v29, v6;
	v26 =	vmul.f32 v26, v8  }
0x8e: {  	v22 =	vmul.f32 v22, v17;
	v34 =	vadd.f32 v34, v38;
	v30 =	vmul.f32 v30, v10  }
0x8f: {  	v35 =	vadd.f32 v37, v35;
	v32 =	vmul.f32 v32, v7;
	v31 =	vmul.f32 v31, v9  }
0x90: {  	v22 =	vadd.f32 v27, v22;
	v36 =	vmul.f32 v36, v5;
	v50 =	vmul.f32 v40, v16  }
0x91: {  	v26 =	vadd.f32 v26, v32;
	v51 =	vadd.f32 v30, v31  }
0x92: {  	v29 =	vadd.f32 v29, v36;
	v23 =	vadd.f32 v50, v23  }
0x93: {  	v22 =	vadd.f32 v33, v22;
	v27 =	vadd.f32 v34, v51  }
0x94: {  	v26 =	vadd.f32 v26, v29;
	v23 =	vadd.f32 v23, v35;
	_ =	sdelay $0x1  }
0x95: {  	v26 =	vadd.f32 v27, v26;
	v22 =	vadd.f32 v22, v23;
	_ =	sdelay $0x1  }
0x96: {  	v22 =	vadd.f32 v22, v26  }
0x97: {  	v23 =	vperm.xlane v28, v0  }
0x98: {  	v26 =	vperm.xlane v22, v0  }
0x99: {  	v23 =	vadd.f32 v28, v23  }
0x9a: {  	v22 =	vadd.f32 v22, v26  }
0x9b: {  	v52 =	vperm.xlane v23, v1  }
0x9c: {  	v53 =	vperm.xlane v22, v1  }
0x9d: {  	v23 =	vadd.f32 v23, v52  }
0x9e: {  	v22 =	vadd.f32 v22, v53  }
0x9f: {  	v26 =	vperm.xlane v23, v2  }
0xa0: {  	v27 =	vperm.xlane v22, v2  }
0xa1: {  	s15 =	sadd.s32 $0x1, s3;
	v23 =	vadd.f32 v23, v26  }
0xa2: {  	v54 =	vperm.xlane v25, v4;
	v55 =	vmov s15;
	s2 =	sadd.s32 $0x1, s15;
	v22 =	vadd.f32 v22, v27  }
0xa3: {  	v57 =	vmov s2;
	v56 =	vperm.xlane v23, v4  }
0xa4: {  	v25 =	vadd.f32 v25, v54;
	v58 =	vperm.xlane v22, v4  }
0xa5: {  	v23 =	vadd.f32 v23, v56  }
0xa6: {  	s16 =	sshll.u32 s4, $0x2;
	[tilespmem:v24+s28+$0x0] =	vst.idx.msk $0x1, v25;
	v22 =	vadd.f32 v22, v58  }
0xa7: {  	s17 =	sshra.s32 s16, $0x2;
	[tilespmem:v55+s28+$0x0] =	vst.idx.msk $0x1, v23  }
0xa8: {  	s3 =	sadd.s32 $0x10590, s17;
	[tilespmem:v57+s28+$0x0] =	vst.idx.msk $0x1, v22  }
0xa9: {  	v22 =	vld [tilespmem:s3+$0x0];
	_ =	sdelay $0x1  }
0xaa: {  	v23 =	vld [tilespmem:s3+$0xFFFFFFF0];
	_ =	sdelay $0x2  }
0xab: {  	v22 =	vadd.f32 v22, v21;
	_ =	sdelay $0x1  }
0xac: {  	v23 =	vadd.f32 v23, v21;
	v22 =	vsub.f32 $0.0e+00, v22;
	_ =	sdelay $0x1  }
0xad: {  	s5 =	sadd.s32 $0x20, s3;
	v23 =	vsub.f32 $0.0e+00, v23;
	v22 =	vmul.f32 $1.442695020e+00, v22  }
0xae: {  	v24 =	vld [tilespmem:s5+$0x0]  }
0xaf: {  	v23 =	vmul.f32 $1.442695020e+00, v23;
	(erf) = vpow2.f32 v22;
	v22 =	vld [tilespmem:s5+$0xFFFFFFF0];
	_ =	sdelay $0x1  }
0xb0: {  	(erf) = vpow2.f32 v23;
	_ =	sdelay $0x1  }
0xb1: {  	v23 =	vadd.f32 v24, v21  }
0xb2: {  	v22 =	vadd.f32 v22, v21  }
0xb3: {  	v23 =	vsub.f32 $0.0e+00, v23  }
0xb4: {  	s15 =	sadd.s32 $0x20, s5;
	v22 =	vsub.f32 $0.0e+00, v22  }
0xb5: {  	v59 =	vld [tilespmem:s15+$0x0];
	v23 =	vmul.f32 $1.442695020e+00, v23  }
0xb6: {  	v25 =	vld [tilespmem:s15+$0xFFFFFFF0];
	v22 =	vmul.f32 $1.442695020e+00, v22  }
0xb7: {  	v60 =	vpop (erf);
	(erf) = vpow2.f32 v23  }
0xb8: {  	v61 =	vpop (erf);
	v23 =	vadd.f32 $1.000000000e+00, v60;
	(erf) = vpow2.f32 v22  }
0xb9: {  	v62 =	vadd.f32 $1.000000000e+00, v61  }
0xba: {  	v22 =	vadd.f32 v59, v21;
	(erf) = vrcp.f32 v23  }
0xbb: {  	v63 =	vadd.f32 v25, v21;
	(erf) = vrcp.f32 v62  }
0xbc: {  	v22 =	vsub.f32 $0.0e+00, v22  }
0xbd: {  	s16 =	simm.s32 $0x40;
	s2 =	sadd.s32 $0x10580, s4;
	s17 =	sadd.s32 $0x20, s15;
	v23 =	vsub.f32 $0.0e+00, v63  }
.LBB2_5:
0xbe: {  	v24 =	vld [tilespmem:s17+$0x0];
	s16 =	sadd.s32 $0x20, s16;
	v26 =	vmul.f32 $1.442695020e+00, v22  }
0xbf: {  	v25 =	vld [tilespmem:s17+$0xFFFFFFF0];
	p1 =	slt.u32 s16, $0x60;
	v27 =	vmul.f32 $1.442695020e+00, v23  }
0xc0: {  	(erf) = vpow2.f32 v26;
	v22 =	vpop (erf)  }
0xc1: {  	(erf) = vpow2.f32 v27;
	v26 =	vadd.f32 $1.000000000e+00, v22;
	v23 =	vpop (erf)  }
.Ltmp1:
0xc2: {  	v27 =	vadd.f32 $1.000000000e+00, v23;
	(pc) =	sbr.rel @p1 .LBB2_5-.Ltmp1, $4  }
0xc3: {  	v24 =	vadd.f32 v24, v21;
	(erf) = vrcp.f32 v26;
	v22 =	vpop (erf)  }
0xc4: {  	v25 =	vadd.f32 v25, v21;
	(erf) = vrcp.f32 v27;
	[tilespmem:s3+$0x0] =	vst v22;
	v23 =	vpop (erf)  }
0xc5: {  	v22 =	vsub.f32 $0.0e+00, v24;
	[tilespmem:s3+$0xFFFFFFF0] =	vst v23;
	s3 =	smov.u32 s5;
	s5 =	smov.u32 s15;
	s15 =	smov.u32 s17  }
0xc6: {  	s17 =	sadd.s32 $0x20, s17;
	v23 =	vsub.f32 $0.0e+00, v25  }
0xc7: {  	v22 =	vmul.f32 $1.442695020e+00, v22  }
0xc8: {  	v23 =	vmul.f32 $1.442695020e+00, v23  }
0xc9: {  	(erf) = vpow2.f32 v22  }
0xca: {  	(erf) = vpow2.f32 v23;
	_ =	sdelay $0x3  }
0xcb: {  	v22 =	vpop (erf)  }
0xcc: {  	v23 =	vpop (erf)  }
0xcd: {  	v24 =	vpop (erf)  }
0xce: {  	v22 =	vadd.f32 $1.000000000e+00, v22;
	v25 =	vpop (erf)  }
0xcf: {  	v23 =	vadd.f32 $1.000000000e+00, v23;
	v26 =	vpop (erf)  }
0xd0: {  	(erf) = vrcp.f32 v22;
	v22 =	vadd.f32 $1.000000000e+00, v26;
	v26 =	vpop (erf)  }
0xd1: {  	(erf) = vrcp.f32 v23;
	v23 =	vadd.f32 $1.000000000e+00, v26  }
0xd2: {  	(erf) = vrcp.f32 v22  }
0xd3: {  	(erf) = vrcp.f32 v23;
	_ =	sdelay $0x4  }
0xd4: {  	[tilespmem:s3+$0x0] =	vst v24  }
0xd5: {  	[tilespmem:s3+$0xFFFFFFF0] =	vst v25;
	v22 =	vpop (erf)  }
0xd6: {  	[tilespmem:s5+$0x0] =	vst v22;
	v22 =	vpop (erf)  }
0xd7: {  	[tilespmem:s5+$0xFFFFFFF0] =	vst v22;
	s5 =	sor.u32 s8, s4;
	v22 =	vpop (erf)  }
0xd8: {  	s3 =	sshrl.u32 s5, $0x3;
	[tilespmem:s15+$0x0] =	vst v22;
	v22 =	vpop (erf)  }
0xd9: {  	s3 =	sadd.s32 s6, s3;
	[tilespmem:s15+$0xFFFFFFF0] =	vst v22  }
0xda: {  	[hbm4b:s3+s7] =	stream.linear.scatter [tilespmem:s2], [sflag:$0x4], $0x80, $0x38;
	[tilespmem:$0x10780] =	vst v63  }
0xdb: {  	s5 =	simm.s32 @p0 $0x400;
	s2 =	simm.s32 @p0 $0x80;
	s3 =	simm.s32 @p0 $0x100  }
0xdc: {  	[tilespmem:s5], [sflag:$0x1] =	stream.indirect.gather @p0 [hbm4b:s0+s2], $0x80, s3, s2, $0xb8;
	[tilespmem:$0x10780] =	vst v63  }
0xdd: {  	s3 =	simm.s32 @p0 $0x300;
	s5 =	simm.s32 @p0 $0x8400  }
0xde: {  	[tilespmem:s5], [sflag:$0x2] =	stream.indirect.gather @p0 [hbm4b:s1+s2], $0x80, s3, s2, $0xb8;
	[tilespmem:$0x10780] =	vst v63  }
0xdf: {  	_ =	swait.ge [sflag:s19], $0x4000  }
0xe0: {  	[sflag:s19] =	ssyncset.done $0x0  }
0xe1: {  	[sflag:s19] =	ssyncadd.s32 $0xFFFFC000  }
0xe2: {  	_ =	swait.ge [sflag:s20], $0x4000  }
0xe3: {  	[sflag:s20] =	ssyncset.done $0x0  }
0xe4: {  	s16 =	simm.s32 $0x0;
	[sflag:s20] =	ssyncadd.s32 $0xFFFFC000  }
0xe5: {  	v22 =	vld [tilespmem:s16+$0xC470]  }
0xe6: {  	v23 =	vld [tilespmem:s16+$0xC450]  }
0xe7: {  	v24 =	vld [tilespmem:s16+$0xC420]  }
0xe8: {  	v25 =	vld [tilespmem:s16+$0xC440]  }
0xe9: {  	v26 =	vld [tilespmem:s16+$0xC410]  }
0xea: {  	v27 =	vld [tilespmem:s16+$0xC460]  }
0xeb: {  	v28 =	vld [tilespmem:s16+$0xC400]  }
0xec: {  	v29 =	vld [tilespmem:s16+$0x4470]  }
0xed: {  	v30 =	vld [tilespmem:s16+$0x4430]  }
0xee: {  	v31 =	vld [tilespmem:s16+$0x4460]  }
0xef: {  	v32 =	vld [tilespmem:s16+$0x4410]  }
0xf0: {  	v33 =	vld [tilespmem:s16+$0x4450]  }
0xf1: {  	v34 =	vld [tilespmem:s16+$0x4420]  }
0xf2: {  	v35 =	vld [tilespmem:s16+$0x4440]  }
0xf3: {  	v36 =	vld [tilespmem:s16+$0x4400]  }
0xf4: {  	s17 =	simm.s32 $0x80;
	v37 =	vld [tilespmem:s16+$0xC430]  }
0xf5: {  	v38 =	vld [tilespmem:s17+$0xC470]  }
0xf6: {  	v39 =	vld [tilespmem:s17+$0xC450]  }
0xf7: {  	v40 =	vld [tilespmem:s17+$0xC420];
	v27 =	vmul.f32 v27, v19;
	v29 =	vmul.f32 v29, v12  }
0xf8: {  	v46 =	vld [tilespmem:s17+$0xC440];
	v23 =	vmul.f32 v23, v18;
	v28 =	vmul.f32 v28, v13  }
0xf9: {  	v47 =	vld [tilespmem:s17+$0xC410];
	v22 =	vmul.f32 v22, v20;
	v31 =	vmul.f32 v31, v11  }
0xfa: {  	v48 =	vld [tilespmem:s17+$0xC460];
	v26 =	vmul.f32 v26, v14;
	v24 =	vmul.f32 v24, v15  }
0xfb: {  	v49 =	vld [tilespmem:s17+$0xC400];
	v45 =	vmul.f32 v34, v7;
	v30 =	vmul.f32 v30, v8  }
0xfc: {  	v50 =	vld [tilespmem:s17+$0x4440];
	v25 =	vmul.f32 v25, v17;
	v35 =	vmul.f32 v35, v9  }
0xfd: {  	v51 =	vld [tilespmem:s17+$0x4400];
	v37 =	vmul.f32 v37, v16;
	v22 =	vadd.f32 v22, v27;
	v27 =	vmul.f32 v32, v6  }
0xfe: {  	s3 =	simm.s32 $0x100;
	v53 =	vld [tilespmem:s17+$0xC430];
	v29 =	vadd.f32 v29, v31;
	v26 =	vadd.f32 v26, v28;
	v28 =	vmul.f32 v36, v5  }
0xff: {  	v55 =	vld [tilespmem:s3+$0xC470];
	v31 =	vmul.f32 v33, v10;
	v30 =	vadd.f32 v30, v45;
	v23 =	vadd.f32 v23, v25  }
0x100: {  	v25 =	vld [tilespmem:s17+$0x4470];
	v24 =	vadd.f32 v37, v24;
	v27 =	vadd.f32 v27, v28  }
0x101: {  	v28 =	vadd.f32 v31, v35;
	v22 =	vadd.f32 v22, v23;
	v23 =	vld [tilespmem:s17+$0x4460]  }
0x102: {  	v52 =	vmul.f32 v40, v15;
	v56 =	vmul.f32 v51, v5;
	v24 =	vadd.f32 v24, v26;
	v26 =	vld [tilespmem:s17+$0x4410]  }
0x103: {  	v34 =	vmul.f32 v46, v17;
	v31 =	vld [tilespmem:s17+$0x4430];
	v27 =	vadd.f32 v30, v27;
	v28 =	vadd.f32 v29, v28  }
0x104: {  	v57 =	vmul.f32 v53, v16;
	v32 =	vmul.f32 v49, v13;
	v22 =	vadd.f32 v22, v24;
	v24 =	vld [tilespmem:s17+$0x4420]  }
0x105: {  	v35 =	vmul.f32 v50, v9;
	v29 =	vmul.f32 v48, v19;
	v30 =	vld [tilespmem:s17+$0x4450];
	v27 =	vadd.f32 v28, v27  }
0x106: {  	v41 =	vld [tilespmem:s3+$0xC450];
	v25 =	vmul.f32 v25, v12;
	v28 =	vmul.f32 v39, v18  }
0x107: {  	v42 =	vld [tilespmem:s3+$0xC410];
	v23 =	vmul.f32 v23, v11;
	v26 =	vmul.f32 v26, v6;
	v27 =	vadd.f32 v22, v27  }
0x108: {  	v58 =	vld [tilespmem:s3+$0xC400];
	v59 =	vadd.f32 v57, v52;
	v31 =	vmul.f32 v31, v8;
	v22 =	vmul.f32 v38, v20  }
0x109: {  	v60 =	vld [tilespmem:s3+$0x4470];
	v28 =	vadd.f32 v28, v34;
	v24 =	vmul.f32 v24, v7;
	v54 =	vperm.xlane v27, v0  }
0x10a: {  	v61 =	vld [tilespmem:s3+$0x4460];
	v30 =	vmul.f32 v30, v10;
	v25 =	vadd.f32 v25, v23;
	v26 =	vadd.f32 v26, v56  }
0x10b: {  	v33 =	vmul.f32 v47, v14;
	v36 =	vld [tilespmem:s3+$0x4400];
	v29 =	vadd.f32 v22, v29;
	v27 =	vadd.f32 v27, v54  }
0x10c: {  	v37 =	vmul.f32 v42, v14;
	v23 =	vld [tilespmem:s3+$0xC420];
	v24 =	vadd.f32 v31, v24;
	v30 =	vadd.f32 v30, v35  }
0x10d: {  	v32 =	vadd.f32 v33, v32;
	v31 =	vld [tilespmem:s3+$0xC460];
	v28 =	vadd.f32 v29, v28;
	v29 =	vperm.xlane v27, v1  }
0x10e: {  	v39 =	vmul.f32 v55, v20;
	v22 =	vld [tilespmem:s3+$0xC440];
	v24 =	vadd.f32 v24, v26;
	v25 =	vadd.f32 v25, v30  }
0x10f: {  	v34 =	vmul.f32 v60, v12;
	v26 =	vld [tilespmem:s3+$0x4430];
	v30 =	vadd.f32 v59, v32;
	v62 =	vadd.f32 v27, v29  }
0x110: {  	v38 =	vmul.f32 v61, v11;
	v35 =	vmul.f32 v58, v13;
	v32 =	vld [tilespmem:s3+$0x4420]  }
0x111: {  	v24 =	vadd.f32 v25, v24;
	v25 =	vadd.f32 v28, v30;
	v29 =	vld [tilespmem:s3+$0x4410];
	v63 =	vperm.xlane v62, v2  }
0x112: {  	s2 =	sadd.s32 $0x80, s4;
	v30 =	vld [tilespmem:s3+$0x4450];
	v33 =	vmul.f32 v31, v19;
	v27 =	vmul.f32 v41, v18  }
0x113: {  	s15 =	simm.s32 $0x600;
	v31 =	vld [tilespmem:s3+$0x4440];
	v28 =	vadd.f32 v25, v24;
	v24 =	vmov s2;
	v25 =	vadd.f32 v62, v63  }
.LBB2_7:
0x114: {  	s5 =	smov.u32 s15  }
0x115: {  	v40 =	vmul.f32 v23, v15;
	v41 =	vld [tilespmem:s3+$0xC430];
	s3 =	sshra.s32 s15, $0x2;
	v33 =	vadd.f32 v39, v33;
	v39 =	vperm.xlane v28, v0;
	s2 =	sadd.s32 $0x1, s2;
	s5 =	sadd.s32 $0x200, s15  }
0x116: {  	p1 =	seq.s32 s15, $0xFE00;
	v29 =	vmul.f32 v29, v6;
	v34 =	vadd.f32 v34, v38;
	v38 =	vperm.xlane v25, v4;
	v42 =	vld [tilespmem:s3+$0xC470]  }
0x117: {  	v30 =	vmul.f32 v30, v10;
	v35 =	vadd.f32 v37, v35;
	v32 =	vmul.f32 v32, v7;
	v43 =	vld [tilespmem:s3+$0xC450]  }
0x118: {  	v26 =	vmul.f32 v26, v8;
	v28 =	vadd.f32 v28, v39;
	v31 =	vmul.f32 v31, v9;
	v23 =	vld [tilespmem:s3+$0xC420]  }
0x119: {  	v37 =	vmul.f32 v22, v17;
	v25 =	vadd.f32 v25, v38;
	v36 =	vmul.f32 v36, v5;
	v22 =	vld [tilespmem:s3+$0xC440]  }
0x11a: {  	v26 =	vadd.f32 v26, v32;
	v38 =	vmul.f32 v41, v16;
	v30 =	vadd.f32 v30, v31;
	v44 =	vld [tilespmem:s3+$0xC410]  }
0x11b: {  	v27 =	vadd.f32 v27, v37;
	v29 =	vadd.f32 v29, v36;
	v31 =	vld [tilespmem:s3+$0xC460];
	[tilespmem:v24+s28+$0x0] =	vst.idx.msk $0x1, v25  }
0x11c: {  	v25 =	vadd.f32 v38, v40;
	v24 =	vld [tilespmem:s3+$0xC400]  }
0x11d: {  	v27 =	vadd.f32 v33, v27;
	v32 =	vadd.f32 v26, v29;
	v29 =	vperm.xlane v28, v1;
	v36 =	vld [tilespmem:s3+$0x4470]  }
0x11e: {  	v30 =	vadd.f32 v34, v30;
	v25 =	vadd.f32 v25, v35;
	v26 =	vld [tilespmem:s3+$0x4430]  }
0x11f: {  	v38 =	vadd.f32 v28, v29;
	v37 =	vld [tilespmem:s3+$0x4460]  }
.Ltmp2:
0x120: {  	v28 =	vadd.f32 v30, v32;
	v25 =	vadd.f32 v27, v25;
	v29 =	vld [tilespmem:s3+$0x4410];
	v33 =	vmul.f32 v31, v19;
	(pc) =	sbr.rel @!p1 .LBB2_7-.Ltmp2, $4  }
0x121: {  	v40 =	vperm.xlane v38, v2;
	v30 =	vld [tilespmem:s3+$0x4450]  }
0x122: {  	v27 =	vmul.f32 v43, v18;
	v28 =	vadd.f32 v25, v28;
	v32 =	vld [tilespmem:s3+$0x4420];
	v34 =	vmul.f32 v36, v12  }
0x123: {  	v39 =	vmul.f32 v42, v20;
	v35 =	vmul.f32 v24, v13;
	v25 =	vadd.f32 v38, v40;
	v31 =	vld [tilespmem:s3+$0x4440]  }
0x124: {  	s15 =	smov.u32 s5;
	v24 =	vmov s2;
	v36 =	vld [tilespmem:s3+$0x4400];
	v38 =	vmul.f32 v37, v11;
	v37 =	vmul.f32 v44, v14  }
0x125: {  	v40 =	vld [tilespmem:s3+$0xC430]  }
0x126: {  	v23 =	vmul.f32 v23, v15  }
0x127: {  	v33 =	vadd.f32 v39, v33;
	v29 =	vmul.f32 v29, v6;
	v26 =	vmul.f32 v26, v8  }
0x128: {  	v22 =	vmul.f32 v22, v17;
	v34 =	vadd.f32 v34, v38;
	v30 =	vmul.f32 v30, v10  }
0x129: {  	v35 =	vadd.f32 v37, v35;
	v32 =	vmul.f32 v32, v7;
	v31 =	vmul.f32 v31, v9  }
0x12a: {  	v22 =	vadd.f32 v27, v22;
	v36 =	vmul.f32 v36, v5;
	v50 =	vmul.f32 v40, v16  }
0x12b: {  	v26 =	vadd.f32 v26, v32;
	v51 =	vadd.f32 v30, v31  }
0x12c: {  	v29 =	vadd.f32 v29, v36;
	v23 =	vadd.f32 v50, v23  }
0x12d: {  	v22 =	vadd.f32 v33, v22;
	v27 =	vadd.f32 v34, v51  }
0x12e: {  	v26 =	vadd.f32 v26, v29;
	v23 =	vadd.f32 v23, v35;
	_ =	sdelay $0x1  }
0x12f: {  	v26 =	vadd.f32 v27, v26;
	v22 =	vadd.f32 v22, v23;
	_ =	sdelay $0x1  }
0x130: {  	v22 =	vadd.f32 v22, v26  }
0x131: {  	v23 =	vperm.xlane v28, v0  }
0x132: {  	v26 =	vperm.xlane v22, v0  }
0x133: {  	v23 =	vadd.f32 v28, v23  }
0x134: {  	v22 =	vadd.f32 v22, v26  }
0x135: {  	v52 =	vperm.xlane v23, v1  }
0x136: {  	v53 =	vperm.xlane v22, v1  }
0x137: {  	v23 =	vadd.f32 v23, v52  }
0x138: {  	v22 =	vadd.f32 v22, v53  }
0x139: {  	v26 =	vperm.xlane v23, v2  }
0x13a: {  	v27 =	vperm.xlane v22, v2  }
0x13b: {  	s2 =	sadd.s32 $0x1, s2;
	v23 =	vadd.f32 v23, v26  }
0x13c: {  	v54 =	vperm.xlane v25, v4;
	v55 =	vmov s2;
	s2 =	sadd.s32 $0x1, s2;
	v22 =	vadd.f32 v22, v27  }
0x13d: {  	v57 =	vmov s2;
	v56 =	vperm.xlane v23, v4  }
0x13e: {  	v25 =	vadd.f32 v25, v54;
	v58 =	vperm.xlane v22, v4  }
0x13f: {  	v23 =	vadd.f32 v23, v56  }
0x140: {  	[tilespmem:v24+s28+$0x0] =	vst.idx.msk $0x1, v25;
	v22 =	vadd.f32 v22, v58  }
0x141: {  	[tilespmem:v55+s28+$0x0] =	vst.idx.msk $0x1, v23  }
0x142: {  	s3 =	sadd.s32 $0x10610, s4;
	[tilespmem:v57+s28+$0x0] =	vst.idx.msk $0x1, v22  }
0x143: {  	v22 =	vld [tilespmem:s3+$0x0];
	_ =	sdelay $0x1  }
0x144: {  	v23 =	vld [tilespmem:s3+$0xFFFFFFF0];
	_ =	sdelay $0x2  }
0x145: {  	v22 =	vadd.f32 v22, v21;
	_ =	sdelay $0x1  }
0x146: {  	v23 =	vadd.f32 v23, v21;
	v22 =	vsub.f32 $0.0e+00, v22;
	_ =	sdelay $0x1  }
0x147: {  	s4 =	sadd.s32 $0x20, s3;
	v23 =	vsub.f32 $0.0e+00, v23;
	v22 =	vmul.f32 $1.442695020e+00, v22  }
0x148: {  	v24 =	vld [tilespmem:s4+$0x0]  }
0x149: {  	v23 =	vmul.f32 $1.442695020e+00, v23;
	(erf) = vpow2.f32 v22;
	v22 =	vld [tilespmem:s4+$0xFFFFFFF0];
	_ =	sdelay $0x1  }
0x14a: {  	(erf) = vpow2.f32 v23;
	_ =	sdelay $0x1  }
0x14b: {  	v23 =	vadd.f32 v24, v21  }
0x14c: {  	v22 =	vadd.f32 v22, v21  }
0x14d: {  	v23 =	vsub.f32 $0.0e+00, v23  }
0x14e: {  	s5 =	sadd.s32 $0x20, s4;
	v22 =	vsub.f32 $0.0e+00, v22  }
0x14f: {  	v59 =	vld [tilespmem:s5+$0x0];
	v23 =	vmul.f32 $1.442695020e+00, v23  }
0x150: {  	v25 =	vld [tilespmem:s5+$0xFFFFFFF0];
	v22 =	vmul.f32 $1.442695020e+00, v22  }
0x151: {  	v60 =	vpop (erf);
	(erf) = vpow2.f32 v23  }
0x152: {  	v61 =	vpop (erf);
	v23 =	vadd.f32 $1.000000000e+00, v60;
	(erf) = vpow2.f32 v22  }
0x153: {  	v62 =	vadd.f32 $1.000000000e+00, v61  }
0x154: {  	v22 =	vadd.f32 v59, v21;
	(erf) = vrcp.f32 v23  }
0x155: {  	v63 =	vadd.f32 v25, v21;
	(erf) = vrcp.f32 v62  }
0x156: {  	v22 =	vsub.f32 $0.0e+00, v22  }
0x157: {  	s15 =	simm.s32 $0x40;
	s2 =	sadd.s32 $0x10580, s31;
	s16 =	sadd.s32 $0x20, s5;
	v23 =	vsub.f32 $0.0e+00, v63  }
.LBB2_9:
0x158: {  	v24 =	vld [tilespmem:s16+$0x0];
	s15 =	sadd.s32 $0x20, s15;
	v26 =	vmul.f32 $1.442695020e+00, v22  }
0x159: {  	v25 =	vld [tilespmem:s16+$0xFFFFFFF0];
	p1 =	slt.u32 s15, $0x60;
	v27 =	vmul.f32 $1.442695020e+00, v23  }
0x15a: {  	(erf) = vpow2.f32 v26;
	v22 =	vpop (erf)  }
0x15b: {  	(erf) = vpow2.f32 v27;
	v26 =	vadd.f32 $1.000000000e+00, v22;
	v23 =	vpop (erf)  }
.Ltmp3:
0x15c: {  	v27 =	vadd.f32 $1.000000000e+00, v23;
	(pc) =	sbr.rel @p1 .LBB2_9-.Ltmp3, $4  }
0x15d: {  	v24 =	vadd.f32 v24, v21;
	(erf) = vrcp.f32 v26;
	v22 =	vpop (erf)  }
0x15e: {  	v25 =	vadd.f32 v25, v21;
	(erf) = vrcp.f32 v27;
	[tilespmem:s3+$0x0] =	vst v22;
	v23 =	vpop (erf)  }
0x15f: {  	v22 =	vsub.f32 $0.0e+00, v24;
	[tilespmem:s3+$0xFFFFFFF0] =	vst v23;
	s3 =	smov.u32 s4;
	s4 =	smov.u32 s5;
	s5 =	smov.u32 s16  }
0x160: {  	s16 =	sadd.s32 $0x20, s16;
	v23 =	vsub.f32 $0.0e+00, v25  }
0x161: {  	v22 =	vmul.f32 $1.442695020e+00, v22  }
0x162: {  	v23 =	vmul.f32 $1.442695020e+00, v23  }
0x163: {  	(erf) = vpow2.f32 v22  }
0x164: {  	(erf) = vpow2.f32 v23;
	_ =	sdelay $0x3  }
0x165: {  	v22 =	vpop (erf)  }
0x166: {  	v23 =	vpop (erf)  }
0x167: {  	v24 =	vpop (erf)  }
0x168: {  	v22 =	vadd.f32 $1.000000000e+00, v22;
	v25 =	vpop (erf)  }
0x169: {  	v23 =	vadd.f32 $1.000000000e+00, v23;
	v26 =	vpop (erf)  }
0x16a: {  	(erf) = vrcp.f32 v22;
	v22 =	vadd.f32 $1.000000000e+00, v26;
	v63 =	vpop (erf)  }
0x16b: {  	(erf) = vrcp.f32 v23;
	v23 =	vadd.f32 $1.000000000e+00, v63  }
0x16c: {  	(erf) = vrcp.f32 v22  }
0x16d: {  	(erf) = vrcp.f32 v23;
	_ =	sdelay $0x4  }
0x16e: {  	[tilespmem:s3+$0x0] =	vst v24  }
0x16f: {  	[tilespmem:s3+$0xFFFFFFF0] =	vst v25;
	v22 =	vpop (erf)  }
.Ltmp4:
0x170: {  	[tilespmem:s4+$0x0] =	vst v22;
	v22 =	vpop (erf);
	(pc) =	sbr.rel @p0 .LBB2_2-.Ltmp4, $4  }
0x171: {  	s31 =	sor.u32 s8, s31;
	[tilespmem:s4+$0xFFFFFFF0] =	vst v22;
	v22 =	vpop (erf)  }
0x172: {  	s3 =	sshrl.u32 s31, $0x3;
	[tilespmem:s5+$0x0] =	vst v22;
	v22 =	vpop (erf)  }
0x173: {  	p1 =	por $0x0, $0x0;
	s3 =	sadd.s32 s6, s3;
	s4 =	simm.s32 $0x100;
	[tilespmem:s5+$0xFFFFFFF0] =	vst v22  }
0x174: {  	[hbm4b:s3+s7] =	stream.linear.scatter [tilespmem:s2], [sflag:$0x4], $0x80, $0x38;
	[tilespmem:$0x10780] =	vst v63  }
0x175: {  	_ =	swait.ge [sflag:s29], $0x80  }
0x176: {  	[sflag:s29] =	ssyncset.done $0x0  }
0x177: {  	[sflag:s29] =	ssyncadd.s32 $0xFFFFFF80  }
0x178: {  	_ =	swait.ge [sflag:s29], $0x80  }
0x179: {  	[sflag:s29] =	ssyncset.done $0x0  }
0x17a: {  	s30 =	sadd.s32 $0x1, s30;
	[sflag:s29] =	ssyncadd.s32 $0xFFFFFF80  }
0x17b: {  	p0 =	sne.s32 s30, s13;
	_ =	swait.ge [sflag:s29], $0x80  }
.Ltmp5:
0x17c: {  	[sflag:s29] =	ssyncset.done $0x0;
	(pc) =	sbr.rel @p0 .LBB2_1-.Ltmp5, $4  }
0x17d: {  	[sflag:s29] =	ssyncadd.s32 $0xFFFFFF80  }
0x17e: {  	_ =	swait.ge [sflag:s29], $0x80  }
0x17f: {  	[sflag:s29] =	ssyncset.done $0x0  }
0x180: {  	[sflag:s29] =	ssyncadd.s32 $0xFFFFFF80  }
0x181: {  	_ =	sfence.sel $0x180000  }
0x182: {  	[bflag:$0x0] =	sbarrier.arrive $0xFFFF  }
0x183: {  	_ =	strace $0x90000047  }
0x184: {  	s0 =	stileid.u32;
	[bflag:$0x2] =	sbarrier.arrive $0xFFFF  }
0x185: {  	p0 =	sne.s32 s0, $0x0;
	s0 =	rddreg [dreg:$0x7]  }
0x186: {  	s0 =	sadd.s32 @!p0 $0x100000, s0  }
0x187: {  	[sflag:s0] =	ssyncadd.tile.s32 @!p0 $0x1;
	_ =	shalt  }
.Lfunc_end2:
_tile_overlayer_lowered:
.L_overlay_start_2:
0x188: {  	(tag) =	ssettag $0x2  }
0x189: {  	s0 =	rddreg [dreg:$0x0];
	s2 =	stileid.u32  }
0x18a: {  	s1 =	rddreg [dreg:$0x1];
	p0 =	sne.s32 s2, $0x0  }
0x18b: {  	s3 =	rddreg [dreg:$0x2];
	[bflag:$0x3] =	sbarrier.arrive $0xFFFF;
	s2 =	simm.s32 @!p0 $0x1C05  }
0x18c: {  	[timem:s3], [sflag:s2] =	dma.local @!p0 [hbm:s0], s1  }
0x18d: {  	s0 =	simm.s32 @!p0 $0x5  }
0x18e: {  	_ =	swait.ge @!p0 [sflag:s0], s1  }
0x18f: {  	s1 =	ssub.s32 @!p0 $0x0, s1;
	[sflag:s0] =	ssyncset.done @!p0 $0x0  }
0x190: {  	[sflag:s0] =	ssyncadd.s32 @!p0 s1  }
0x191: {  	[bflag:$0x3] =	sbarrier.arrive $0xFFFF  }
0x192: {  	_ =	shalt  }

</sc_bundles>
